<compile_context>
chip_gen: v7x
topology: tpu7x:2x2x1
jax: 0.10.2.dev20260603
libtpu: 0.0.44.dev20260713+nightly
codegen_flags: <defaults>
</compile_context>

<pallas_src>
import jax
import jax.numpy as jnp
from jax import lax
from jax.experimental import pallas as pl
from jax.experimental.pallas import tpu as pltpu
from jax.experimental.pallas import tpu_sc as plsc

K_NN = 16
B = 4
N = 2048
TC_SHARE = 1216
ROWS = 304

L = 16
NW = 32
W_PER_BATCH = NW // B
SC_SHARE = N - TC_SHARE
ROWS_PER_W = SC_SHARE // W_PER_BATCH
NV = N // L
CAP = 256


def _tc_block(fx_nat_ref, fx_t_ref, kp_nat_ref, kp_t_ref, out_ref):
    i = pl.program_id(1)
    r0 = i * ROWS

    fxb = fx_t_ref[0]
    kpb = kp_t_ref[0]
    fx_rows = fx_nat_ref[0, pl.ds(r0, ROWS), :]
    kp_rows = kp_nat_ref[0, pl.ds(r0, ROWS), :]

    def sq_dist(rows, pts_t):
        a2 = jnp.sum(rows * rows, axis=1, keepdims=True)
        b2 = jnp.sum(pts_t * pts_t, axis=0, keepdims=True)
        ab = jax.lax.dot_general(
            rows, pts_t, (((1,), (0,)), ((), ())),
            preferred_element_type=jnp.float32)
        return jnp.maximum(a2 + b2 - 2.0 * ab, 0.0)

    d_fixed = sq_dist(fx_rows, fxb)
    d_kpt = sq_dist(kp_rows, kpb)

    m = jnp.min(d_fixed, axis=1, keepdims=True)
    for _ in range(K_NN - 1):
        m = jnp.min(jnp.where(d_fixed > m, d_fixed, jnp.inf),
                    axis=1, keepdims=True)

    diff = d_fixed - d_kpt
    s = diff * diff
    le = d_fixed <= m
    eqm = d_fixed == m
    s_le = jnp.sum(jnp.where(le, s, 0.0), axis=1, keepdims=True)
    s_eq = jnp.sum(jnp.where(eqm, s, 0.0), axis=1, keepdims=True)
    cnt_le = jnp.sum(jnp.where(le, 1.0, 0.0), axis=1, keepdims=True)
    cnt_eq = jnp.sum(jnp.where(eqm, 1.0, 0.0), axis=1, keepdims=True)
    cnt_lt = cnt_le - cnt_eq
    w = jnp.clip((K_NN - cnt_lt) / jnp.maximum(cnt_eq, 1.0), 0.0, 1.0)
    loss = jnp.sum(s_le - (1.0 - w) * s_eq)
    out_ref[...] = loss.reshape(1, 1, 1, 1)


def _sc_body(fx_t_h, kp_t_h, out_h,
             fxv, kpv, dbuf, candv, candi, acc):
    wid = lax.axis_index("s") * 2 + lax.axis_index("c")
    b = wid // W_PER_BATCH
    row0 = TC_SHARE + (wid % W_PER_BATCH) * ROWS_PER_W

    pltpu.sync_copy(fx_t_h.at[b], fxv)
    pltpu.sync_copy(kp_t_h.at[b], kpv)
    zero_i = jnp.zeros((L,), jnp.int32)
    one_i = jnp.full((L,), 1, jnp.int32)
    two_i = jnp.full((L,), 2, jnp.int32)

    lane = lax.iota(jnp.int32, L)
    inf16 = jnp.full((L,), jnp.inf, jnp.float32)
    zero16 = jnp.zeros((L,), jnp.float32)
    for j in range(CAP // L):
        candi[pl.ds(j * L, L)] = lax.iota(jnp.int32, L)

    acc[...] = zero16

    def row_body(r, acc_v):
        ridx = jnp.full((L,), row0 + r, jnp.int32)
        xi = plsc.load_gather(fxv, [zero_i, ridx])
        yi = plsc.load_gather(fxv, [one_i, ridx])
        zi = plsc.load_gather(fxv, [two_i, ridx])

        @plsc.parallel_loop(0, N, step=L, unroll=16, carry=inf16)
        def g(v, gc):
            dx = fxv[0, pl.ds(v, L)] - xi
            dy = fxv[1, pl.ds(v, L)] - yi
            dz = fxv[2, pl.ds(v, L)] - zi
            d = dx * dx + dy * dy + dz * dz
            dbuf[pl.ds(v, L)] = d
            return jnp.minimum(gc, d)
        t = jnp.full((L,), jnp.max(g), jnp.float32)

        for j in range(CAP // L):
            candv[pl.ds(j * L, L)] = inf16

        @plsc.parallel_loop(0, N, step=L, unroll=8,
                            carry=jnp.zeros((L,), jnp.int32))
        def off(v, offc):
            d = dbuf[pl.ds(v, L)]
            m = d <= t
            pos = offc + plsc.cumsum(jnp.ones((L,), jnp.int32), mask=m) - 1
            m = jnp.logical_and(m, pos < CAP)
            plsc.store_scatter(candv, [pos], d, mask=m)
            plsc.store_scatter(candi, [pos], v + lane, mask=m)
            return offc + plsc.all_reduce_population_count(m)
        cnt = jnp.max(off)
        nv = jnp.minimum((cnt + L - 1) // L, CAP // L)

        bk, bv = plsc.sort_key_val(candv[pl.ds(0, L)], candi[pl.ds(0, L)])

        def merge_body(j, carry):
            bk, bv = carry
            ck, cv = plsc.sort_key_val(candv[pl.ds(j * L, L)],
                                       candi[pl.ds(j * L, L)])
            ck = lax.rev(ck, (0,))
            cv = lax.rev(cv, (0,))
            m = bk <= ck
            lo_k = jnp.where(m, bk, ck)
            lo_v = jnp.where(m, bv, cv)
            r = plsc.sort_key_val(lo_k, lo_v)
            return (r[0], r[1])

        bk, bv = lax.fori_loop(1, nv, merge_body, (bk, bv))

        kxi = plsc.load_gather(kpv, [zero_i, ridx])
        kyi = plsc.load_gather(kpv, [one_i, ridx])
        kzi = plsc.load_gather(kpv, [two_i, ridx])
        gx = plsc.load_gather(kpv, [zero_i, bv])
        gy = plsc.load_gather(kpv, [one_i, bv])
        gz = plsc.load_gather(kpv, [two_i, bv])
        ex = gx - kxi
        ey = gy - kyi
        ez = gz - kzi
        dk = ex * ex + ey * ey + ez * ez
        diff = bk - dk
        return acc_v + diff * diff

    acc_v = lax.fori_loop(0, ROWS_PER_W, row_body, zero16)
    acc[...] = acc_v
    pltpu.sync_copy(acc, out_h.at[wid])


def kernel(keypt, fixed_frame):
    fx_t = jnp.swapaxes(fixed_frame, 1, 2)
    kp_t = jnp.swapaxes(keypt, 1, 2)

    tc_partial = pl.pallas_call(
        _tc_block,
        grid=(B, TC_SHARE // ROWS),
        in_specs=[
            pl.BlockSpec((1, N, 3), lambda b, i: (b, 0, 0)),
            pl.BlockSpec((1, 3, N), lambda b, i: (b, 0, 0)),
            pl.BlockSpec((1, N, 3), lambda b, i: (b, 0, 0)),
            pl.BlockSpec((1, 3, N), lambda b, i: (b, 0, 0)),
        ],
        out_specs=pl.BlockSpec((1, 1, 1, 1), lambda b, i: (b, i, 0, 0)),
        out_shape=jax.ShapeDtypeStruct((B, TC_SHARE // ROWS, 1, 1),
                                       jnp.float32),
    )(fixed_frame, fx_t, keypt, kp_t)

    mesh = plsc.VectorSubcoreMesh(core_axis_name="c", subcore_axis_name="s")
    sc_partial = pl.kernel(
        _sc_body,
        mesh=mesh,
        out_type=jax.ShapeDtypeStruct((NW, L), jnp.float32),
        scratch_types=[
            pltpu.VMEM((3, N), jnp.float32),
            pltpu.VMEM((3, N), jnp.float32),
            pltpu.VMEM((N,), jnp.float32),
            pltpu.VMEM((CAP,), jnp.float32),
            pltpu.VMEM((CAP,), jnp.int32),
            pltpu.VMEM((L,), jnp.float32),
        ],
        compiler_params=pltpu.CompilerParams(needs_layout_passes=False),
    )(fx_t, kp_t)

    return (jnp.sum(tc_partial) + jnp.sum(sc_partial)) / (B * N)

# --- scband reference (transcript-rebuilt; emitter-appended) ---
"""Pipeline reference for scband-kpdistance-loss-16071767621917 (READ-ONLY COPY).

The authoritative reference and input builder live on the scoring server;
editing this copy changes nothing except your own understanding.
"""

import jax, jax.numpy as jnp
import numpy as np

K_NN = 16

def _sq_cdist(a, b):
    # squared euclidean distance, equivalent to torch.cdist(a, b) ** 2
    a2 = jnp.sum(a * a, axis=-1)
    b2 = jnp.sum(b * b, axis=-1)
    ab = jnp.einsum('bnd,bmd->bnm', a, b)
    d = a2[:, :, None] + b2[:, None, :] - 2.0 * ab
    return jnp.maximum(d, 0.0)

def setup_inputs(seed: int = 0):
    key = jax.random.key(seed)
    k1, k2 = jax.random.split(key)
    keypt = jax.random.normal(k1, (4, 2048, 3), dtype=jnp.float32)
    fixed_frame = jax.random.normal(k2, (4, 2048, 3), dtype=jnp.float32)
    return {"keypt": keypt, "fixed_frame": fixed_frame}

def reference(keypt, fixed_frame):
    dis_mat_fixed = _sq_cdist(fixed_frame, fixed_frame)
    dis_mat_kpt = _sq_cdist(keypt, keypt)
    # torch.topk(largest=False) -> smallest-k: negate and take top_k
    _, nn_dist_ind_fixed = jax.lax.top_k(-dis_mat_fixed, K_NN)
    dis_mat_knn_kpt = jnp.take_along_axis(dis_mat_kpt, nn_dist_ind_fixed, axis=2)
    dis_mat_knn_fixed = jnp.take_along_axis(dis_mat_fixed, nn_dist_ind_fixed, axis=2)
    final_dist = (dis_mat_knn_fixed - dis_mat_knn_kpt) ** 2
    return jnp.mean(jnp.sum(final_dist, axis=2))

if __name__ == "__main__":
    import jax
    _d = setup_inputs()
    print(jax.jit(kernel)(*tuple(_d.values())))

</pallas_src>

<mosaic_0001>
#map = affine_map<(d0, d1) -> (0, 0, 0)>
#map1 = affine_map<(d0, d1) -> (0, 0)>
module attributes {stable_mosaic.version = 14 : i64} {
  func.func @_sc_body(%arg0: i32, %arg1: i32, %arg2: memref<4x3x2048xf32, #tpu.memory_space<hbm>>, %arg3: memref<4x3x2048xf32, #tpu.memory_space<hbm>>, %arg4: memref<32x16xf32, #tpu.memory_space<hbm>>, %arg5: memref<3x2048xf32, #tpu.memory_space<vmem>>, %arg6: memref<3x2048xf32, #tpu.memory_space<vmem>>, %arg7: memref<2048xf32, #tpu.memory_space<vmem>>, %arg8: memref<256xf32, #tpu.memory_space<vmem>>, %arg9: memref<256xi32, #tpu.memory_space<vmem>>, %arg10: memref<16xf32, #tpu.memory_space<vmem>>) attributes {dimension_semantics = [#tpu.dimension_semantics<core_parallel>, #tpu.dimension_semantics<subcore_parallel>], iteration_bounds = array<i64: 2, 16>, scalar_prefetch = 0 : i64, scratch_operands = 6 : i64, tpu.core_type = #tpu.core_type<sc_vector_subcore>, window_params = [{transform_indices = #map}, {transform_indices = #map}, {transform_indices = #map1}]} {
    %mul3A = arith.constant 2 : i32
    %mul3A_0 = arith.muli %arg1, %mul3A : i32
    %add3A = arith.addi %mul3A_0, %arg0 : i32
    %jit3A = arith.constant 8 : i32
    %div3A = arith.divsi %add3A, %jit3A : i32
    %sign3A = arith.constant 0 : i32
    %sign3A_1 = arith.cmpi sgt, %add3A, %sign3A : i32
    %sign3A_2 = arith.extui %sign3A_1 : i1 to i32
    %sign3A_3 = arith.constant 0 : i32
    %sign3A_4 = arith.cmpi slt, %add3A, %sign3A_3 : i32
    %sign3A_5 = arith.extui %sign3A_4 : i1 to i32
    %sign3A_6 = arith.subi %sign3A_2, %sign3A_5 : i32
    %sign3A_7 = arith.constant 0 : i32
    %sign3A_8 = arith.cmpi sgt, %jit3A, %sign3A_7 : i32
    %sign3A_9 = arith.extui %sign3A_8 : i1 to i32
    %sign3A_10 = arith.constant 0 : i32
    %sign3A_11 = arith.cmpi slt, %jit3A, %sign3A_10 : i32
    %sign3A_12 = arith.extui %sign3A_11 : i1 to i32
    %sign3A_13 = arith.subi %sign3A_9, %sign3A_12 : i32
    %ne3A = arith.cmpi ne, %sign3A_6, %sign3A_13 : i32
    %rem3A = arith.remsi %add3A, %jit3A : i32
    %ne3A_14 = arith.constant 0 : i32
    %ne3A_15 = arith.cmpi ne, %rem3A, %ne3A_14 : i32
    %and3A = arith.andi %ne3A, %ne3A_15 : i1
    %sub3A = arith.constant 1 : i32
    %sub3A_16 = arith.subi %div3A, %sub3A : i32
    %select_n3A = arith.select %and3A, %sub3A_16, %div3A : i32
    %jit3A_17 = arith.constant 8 : i32
    %eq3A = arith.constant 0 : i32
    %eq3A_18 = arith.cmpi eq, %jit3A_17, %eq3A : i32
    %jit3A_19 = arith.constant 1 : i32
    %select_n3A_20 = arith.select %eq3A_18, %jit3A_19, %jit3A_17 : i32
    %rem3A_21 = arith.remsi %add3A, %select_n3A_20 : i32
    %ne3A_22 = arith.constant 0 : i32
    %ne3A_23 = arith.cmpi ne, %rem3A_21, %ne3A_22 : i32
    %lt3A = arith.constant 0 : i32
    %lt3A_24 = arith.cmpi slt, %rem3A_21, %lt3A : i32
    %lt3A_25 = arith.constant 0 : i32
    %lt3A_26 = arith.cmpi slt, %select_n3A_20, %lt3A_25 : i32
    %ne3A_27 = arith.xori %lt3A_24, %lt3A_26 : i1
    %and3A_28 = arith.andi %ne3A_27, %ne3A_23 : i1
    %add3A_29 = arith.addi %rem3A_21, %select_n3A_20 : i32
    %select_n3A_30 = arith.select %and3A_28, %add3A_29, %rem3A_21 : i32
    %mul3A_31 = arith.constant 104 : i32
    %mul3A_32 = arith.muli %select_n3A_30, %mul3A_31 : i32
    %add3A_33 = arith.constant 1216 : i32
    %add3A_34 = arith.addi %add3A_33, %mul3A_32 : i32
    "tpu.region"() ({
      %run_scoped3A = tpu.sem_alloc : memref<!tpu.dma_semaphore, #tpu.memory_space<semaphore_mem>>
      %dma_start3A = arith.constant 0 : i32
      %dma_start3A_100 = arith.constant 0 : i32
      %dma_start3A_101 = tpu.memref_slice %arg2[%select_n3A, %dma_start3A, %dma_start3A_100] : memref<4x3x2048xf32, #tpu.memory_space<hbm>> -> memref<1x3x2048xf32, #tpu.memory_space<hbm>>
      %dma_start3A_102 = tpu.memref_squeeze %dma_start3A_101 : memref<1x3x2048xf32, #tpu.memory_space<hbm>> -> memref<3x2048xf32, #tpu.memory_space<hbm>>
      %dma_start3A_103 = arith.constant 0 : i32
      %dma_start3A_104 = arith.constant 0 : i32
      %dma_start3A_105 = tpu.memref_slice %arg2[%select_n3A, %dma_start3A_103, %dma_start3A_104] : memref<4x3x2048xf32, #tpu.memory_space<hbm>> -> memref<1x3x2048xf32, #tpu.memory_space<hbm>>
      %dma_start3A_106 = tpu.memref_squeeze %dma_start3A_105 : memref<1x3x2048xf32, #tpu.memory_space<hbm>> -> memref<3x2048xf32, #tpu.memory_space<hbm>>
      tpu.enqueue_dma source(%dma_start3A_106 : memref<3x2048xf32, #tpu.memory_space<hbm>>) target(%arg5 : memref<3x2048xf32, #tpu.memory_space<vmem>>) target_semaphore(%run_scoped3A : memref<!tpu.dma_semaphore, #tpu.memory_space<semaphore_mem>>)
      %dma_wait3A = arith.constant 0 : i32
      %dma_wait3A_107 = arith.constant 0 : i32
      %dma_wait3A_108 = tpu.memref_slice %arg2[%select_n3A, %dma_wait3A, %dma_wait3A_107] : memref<4x3x2048xf32, #tpu.memory_space<hbm>> -> memref<1x3x2048xf32, #tpu.memory_space<hbm>>
      %dma_wait3A_109 = tpu.memref_squeeze %dma_wait3A_108 : memref<1x3x2048xf32, #tpu.memory_space<hbm>> -> memref<3x2048xf32, #tpu.memory_space<hbm>>
      %dma_wait3A_110 = arith.constant 0 : i32
      %dma_wait3A_111 = arith.constant 0 : i32
      %dma_wait3A_112 = tpu.memref_slice %arg2[%select_n3A, %dma_wait3A_110, %dma_wait3A_111] : memref<4x3x2048xf32, #tpu.memory_space<hbm>> -> memref<1x3x2048xf32, #tpu.memory_space<hbm>>
      %dma_wait3A_113 = tpu.memref_squeeze %dma_wait3A_112 : memref<1x3x2048xf32, #tpu.memory_space<hbm>> -> memref<3x2048xf32, #tpu.memory_space<hbm>>
      tpu.wait_dma2 semaphore(%run_scoped3A : memref<!tpu.dma_semaphore, #tpu.memory_space<semaphore_mem>>) src(%dma_wait3A_113 : memref<3x2048xf32, #tpu.memory_space<hbm>>) dst(%arg5 : memref<3x2048xf32, #tpu.memory_space<vmem>>)
      tpu.yield
    }) : () -> ()
    "tpu.region"() ({
      %run_scoped3A = tpu.sem_alloc : memref<!tpu.dma_semaphore, #tpu.memory_space<semaphore_mem>>
      %dma_start3A = arith.constant 0 : i32
      %dma_start3A_100 = arith.constant 0 : i32
      %dma_start3A_101 = tpu.memref_slice %arg3[%select_n3A, %dma_start3A, %dma_start3A_100] : memref<4x3x2048xf32, #tpu.memory_space<hbm>> -> memref<1x3x2048xf32, #tpu.memory_space<hbm>>
      %dma_start3A_102 = tpu.memref_squeeze %dma_start3A_101 : memref<1x3x2048xf32, #tpu.memory_space<hbm>> -> memref<3x2048xf32, #tpu.memory_space<hbm>>
      %dma_start3A_103 = arith.constant 0 : i32
      %dma_start3A_104 = arith.constant 0 : i32
      %dma_start3A_105 = tpu.memref_slice %arg3[%select_n3A, %dma_start3A_103, %dma_start3A_104] : memref<4x3x2048xf32, #tpu.memory_space<hbm>> -> memref<1x3x2048xf32, #tpu.memory_space<hbm>>
      %dma_start3A_106 = tpu.memref_squeeze %dma_start3A_105 : memref<1x3x2048xf32, #tpu.memory_space<hbm>> -> memref<3x2048xf32, #tpu.memory_space<hbm>>
      tpu.enqueue_dma source(%dma_start3A_106 : memref<3x2048xf32, #tpu.memory_space<hbm>>) target(%arg6 : memref<3x2048xf32, #tpu.memory_space<vmem>>) target_semaphore(%run_scoped3A : memref<!tpu.dma_semaphore, #tpu.memory_space<semaphore_mem>>)
      %dma_wait3A = arith.constant 0 : i32
      %dma_wait3A_107 = arith.constant 0 : i32
      %dma_wait3A_108 = tpu.memref_slice %arg3[%select_n3A, %dma_wait3A, %dma_wait3A_107] : memref<4x3x2048xf32, #tpu.memory_space<hbm>> -> memref<1x3x2048xf32, #tpu.memory_space<hbm>>
      %dma_wait3A_109 = tpu.memref_squeeze %dma_wait3A_108 : memref<1x3x2048xf32, #tpu.memory_space<hbm>> -> memref<3x2048xf32, #tpu.memory_space<hbm>>
      %dma_wait3A_110 = arith.constant 0 : i32
      %dma_wait3A_111 = arith.constant 0 : i32
      %dma_wait3A_112 = tpu.memref_slice %arg3[%select_n3A, %dma_wait3A_110, %dma_wait3A_111] : memref<4x3x2048xf32, #tpu.memory_space<hbm>> -> memref<1x3x2048xf32, #tpu.memory_space<hbm>>
      %dma_wait3A_113 = tpu.memref_squeeze %dma_wait3A_112 : memref<1x3x2048xf32, #tpu.memory_space<hbm>> -> memref<3x2048xf32, #tpu.memory_space<hbm>>
      tpu.wait_dma2 semaphore(%run_scoped3A : memref<!tpu.dma_semaphore, #tpu.memory_space<semaphore_mem>>) src(%dma_wait3A_113 : memref<3x2048xf32, #tpu.memory_space<hbm>>) dst(%arg6 : memref<3x2048xf32, #tpu.memory_space<vmem>>)
      tpu.yield
    }) : () -> ()
    %broadcast_in_dim3A = arith.constant 0 : i32
    %broadcast_in_dim3A_35 = vector.broadcast %broadcast_in_dim3A : i32 to vector<16xi32>
    %broadcast_in_dim3A_36 = arith.constant 1 : i32
    %broadcast_in_dim3A_37 = vector.broadcast %broadcast_in_dim3A_36 : i32 to vector<16xi32>
    %broadcast_in_dim3A_38 = arith.constant 2 : i32
    %broadcast_in_dim3A_39 = vector.broadcast %broadcast_in_dim3A_38 : i32 to vector<16xi32>
    %iota3A = tpu.iota {dimensions = array<i32: 0>} : vector<16xi32>
    %broadcast_in_dim3A_40 = arith.constant 0x7F800000 : f32
    %broadcast_in_dim3A_41 = vector.broadcast %broadcast_in_dim3A_40 : f32 to vector<16xf32>
    %broadcast_in_dim3A_42 = arith.constant 0.000000e+00 : f32
    %broadcast_in_dim3A_43 = vector.broadcast %broadcast_in_dim3A_42 : f32 to vector<16xf32>
    %iota3A_44 = tpu.iota {dimensions = array<i32: 0>} : vector<16xi32>
    %swap3A = arith.constant 0 : index
    %swap3A_45 = tpu.vector_load %arg9[%swap3A] {strides = array<i32>} : memref<256xi32, #tpu.memory_space<vmem>>, vector<16xi32>,
    tpu.vector_store %arg9[%swap3A], %iota3A_44 {strides = array<i32>} : memref<256xi32, #tpu.memory_space<vmem>>, vector<16xi32>,
    %iota3A_46 = tpu.iota {dimensions = array<i32: 0>} : vector<16xi32>
    %swap3A_47 = arith.constant 16 : index
    %swap3A_48 = tpu.vector_load %arg9[%swap3A_47] {strides = array<i32>} : memref<256xi32, #tpu.memory_space<vmem>>, vector<16xi32>,
    tpu.vector_store %arg9[%swap3A_47], %iota3A_46 {strides = array<i32>} : memref<256xi32, #tpu.memory_space<vmem>>, vector<16xi32>,
    %iota3A_49 = tpu.iota {dimensions = array<i32: 0>} : vector<16xi32>
    %swap3A_50 = arith.constant 32 : index
    %swap3A_51 = tpu.vector_load %arg9[%swap3A_50] {strides = array<i32>} : memref<256xi32, #tpu.memory_space<vmem>>, vector<16xi32>,
    tpu.vector_store %arg9[%swap3A_50], %iota3A_49 {strides = array<i32>} : memref<256xi32, #tpu.memory_space<vmem>>, vector<16xi32>,
    %iota3A_52 = tpu.iota {dimensions = array<i32: 0>} : vector<16xi32>
    %swap3A_53 = arith.constant 48 : index
    %swap3A_54 = tpu.vector_load %arg9[%swap3A_53] {strides = array<i32>} : memref<256xi32, #tpu.memory_space<vmem>>, vector<16xi32>,
    tpu.vector_store %arg9[%swap3A_53], %iota3A_52 {strides = array<i32>} : memref<256xi32, #tpu.memory_space<vmem>>, vector<16xi32>,
    %iota3A_55 = tpu.iota {dimensions = array<i32: 0>} : vector<16xi32>
    %swap3A_56 = arith.constant 64 : index
    %swap3A_57 = tpu.vector_load %arg9[%swap3A_56] {strides = array<i32>} : memref<256xi32, #tpu.memory_space<vmem>>, vector<16xi32>,
    tpu.vector_store %arg9[%swap3A_56], %iota3A_55 {strides = array<i32>} : memref<256xi32, #tpu.memory_space<vmem>>, vector<16xi32>,
    %iota3A_58 = tpu.iota {dimensions = array<i32: 0>} : vector<16xi32>
    %swap3A_59 = arith.constant 80 : index
    %swap3A_60 = tpu.vector_load %arg9[%swap3A_59] {strides = array<i32>} : memref<256xi32, #tpu.memory_space<vmem>>, vector<16xi32>,
    tpu.vector_store %arg9[%swap3A_59], %iota3A_58 {strides = array<i32>} : memref<256xi32, #tpu.memory_space<vmem>>, vector<16xi32>,
    %iota3A_61 = tpu.iota {dimensions = array<i32: 0>} : vector<16xi32>
    %swap3A_62 = arith.constant 96 : index
    %swap3A_63 = tpu.vector_load %arg9[%swap3A_62] {strides = array<i32>} : memref<256xi32, #tpu.memory_space<vmem>>, vector<16xi32>,
    tpu.vector_store %arg9[%swap3A_62], %iota3A_61 {strides = array<i32>} : memref<256xi32, #tpu.memory_space<vmem>>, vector<16xi32>,
    %iota3A_64 = tpu.iota {dimensions = array<i32: 0>} : vector<16xi32>
    %swap3A_65 = arith.constant 112 : index
    %swap3A_66 = tpu.vector_load %arg9[%swap3A_65] {strides = array<i32>} : memref<256xi32, #tpu.memory_space<vmem>>, vector<16xi32>,
    tpu.vector_store %arg9[%swap3A_65], %iota3A_64 {strides = array<i32>} : memref<256xi32, #tpu.memory_space<vmem>>, vector<16xi32>,
    %iota3A_67 = tpu.iota {dimensions = array<i32: 0>} : vector<16xi32>
    %swap3A_68 = arith.constant 128 : index
    %swap3A_69 = tpu.vector_load %arg9[%swap3A_68] {strides = array<i32>} : memref<256xi32, #tpu.memory_space<vmem>>, vector<16xi32>,
    tpu.vector_store %arg9[%swap3A_68], %iota3A_67 {strides = array<i32>} : memref<256xi32, #tpu.memory_space<vmem>>, vector<16xi32>,
    %iota3A_70 = tpu.iota {dimensions = array<i32: 0>} : vector<16xi32>
    %swap3A_71 = arith.constant 144 : index
    %swap3A_72 = tpu.vector_load %arg9[%swap3A_71] {strides = array<i32>} : memref<256xi32, #tpu.memory_space<vmem>>, vector<16xi32>,
    tpu.vector_store %arg9[%swap3A_71], %iota3A_70 {strides = array<i32>} : memref<256xi32, #tpu.memory_space<vmem>>, vector<16xi32>,
    %iota3A_73 = tpu.iota {dimensions = array<i32: 0>} : vector<16xi32>
    %swap3A_74 = arith.constant 160 : index
    %swap3A_75 = tpu.vector_load %arg9[%swap3A_74] {strides = array<i32>} : memref<256xi32, #tpu.memory_space<vmem>>, vector<16xi32>,
    tpu.vector_store %arg9[%swap3A_74], %iota3A_73 {strides = array<i32>} : memref<256xi32, #tpu.memory_space<vmem>>, vector<16xi32>,
    %iota3A_76 = tpu.iota {dimensions = array<i32: 0>} : vector<16xi32>
    %swap3A_77 = arith.constant 176 : index
    %swap3A_78 = tpu.vector_load %arg9[%swap3A_77] {strides = array<i32>} : memref<256xi32, #tpu.memory_space<vmem>>, vector<16xi32>,
    tpu.vector_store %arg9[%swap3A_77], %iota3A_76 {strides = array<i32>} : memref<256xi32, #tpu.memory_space<vmem>>, vector<16xi32>,
    %iota3A_79 = tpu.iota {dimensions = array<i32: 0>} : vector<16xi32>
    %swap3A_80 = arith.constant 192 : index
    %swap3A_81 = tpu.vector_load %arg9[%swap3A_80] {strides = array<i32>} : memref<256xi32, #tpu.memory_space<vmem>>, vector<16xi32>,
    tpu.vector_store %arg9[%swap3A_80], %iota3A_79 {strides = array<i32>} : memref<256xi32, #tpu.memory_space<vmem>>, vector<16xi32>,
    %iota3A_82 = tpu.iota {dimensions = array<i32: 0>} : vector<16xi32>
    %swap3A_83 = arith.constant 208 : index
    %swap3A_84 = tpu.vector_load %arg9[%swap3A_83] {strides = array<i32>} : memref<256xi32, #tpu.memory_space<vmem>>, vector<16xi32>,
    tpu.vector_store %arg9[%swap3A_83], %iota3A_82 {strides = array<i32>} : memref<256xi32, #tpu.memory_space<vmem>>, vector<16xi32>,
    %iota3A_85 = tpu.iota {dimensions = array<i32: 0>} : vector<16xi32>
    %swap3A_86 = arith.constant 224 : index
    %swap3A_87 = tpu.vector_load %arg9[%swap3A_86] {strides = array<i32>} : memref<256xi32, #tpu.memory_space<vmem>>, vector<16xi32>,
    tpu.vector_store %arg9[%swap3A_86], %iota3A_85 {strides = array<i32>} : memref<256xi32, #tpu.memory_space<vmem>>, vector<16xi32>,
    %iota3A_88 = tpu.iota {dimensions = array<i32: 0>} : vector<16xi32>
    %swap3A_89 = arith.constant 240 : index
    %swap3A_90 = tpu.vector_load %arg9[%swap3A_89] {strides = array<i32>} : memref<256xi32, #tpu.memory_space<vmem>>, vector<16xi32>,
    tpu.vector_store %arg9[%swap3A_89], %iota3A_88 {strides = array<i32>} : memref<256xi32, #tpu.memory_space<vmem>>, vector<16xi32>,
    %swap3A_91 = arith.constant 0 : index
    %swap3A_92 = tpu.vector_load %arg10[%swap3A_91] {strides = array<i32>} : memref<16xf32, #tpu.memory_space<vmem>>, vector<16xf32>,
    tpu.vector_store %arg10[%swap3A_91], %broadcast_in_dim3A_43 {strides = array<i32>} : memref<16xf32, #tpu.memory_space<vmem>>, vector<16xf32>,
    %scan3A = arith.constant 0 : i32
    %scan3A_93 = arith.constant 104 : i32
    %scan3A_94 = arith.addi %scan3A, %scan3A_93 : i32
    %scan3A_95 = arith.constant 1 : i32
    %scan3A_96 = scf.for %scan3A_100 = %scan3A to %scan3A_94 step %scan3A_95 iter_args(%scan3A_101 = %broadcast_in_dim3A_43) -> (vector<16xf32>)  : i32 {
      %add3A_102 = arith.addi %add3A_34, %scan3A_100 : i32
      %broadcast_in_dim3A_103 = vector.broadcast %add3A_102 : i32 to vector<16xi32>
      %gather3A = tpu.vector_load_idx %arg5[%broadcast_in_dim3A_35, %broadcast_in_dim3A_103] : memref<3x2048xf32, #tpu.memory_space<vmem>>[vector<16xi32>, vector<16xi32>], vector<16xf32>,
      %gather3A_104 = tpu.vector_load_idx %arg5[%broadcast_in_dim3A_37, %broadcast_in_dim3A_103] : memref<3x2048xf32, #tpu.memory_space<vmem>>[vector<16xi32>, vector<16xi32>], vector<16xf32>,
      %gather3A_105 = tpu.vector_load_idx %arg5[%broadcast_in_dim3A_39, %broadcast_in_dim3A_103] : memref<3x2048xf32, #tpu.memory_space<vmem>>[vector<16xi32>, vector<16xi32>], vector<16xf32>,
      %parallel_loop3A = arith.constant 0 : i32
      %parallel_loop3A_106 = arith.constant 2048 : i32
      %parallel_loop3A_107 = arith.constant 16 : i32
      %parallel_loop3A_108 = scf.for %parallel_loop3A_221 = %parallel_loop3A to %parallel_loop3A_106 step %parallel_loop3A_107 iter_args(%parallel_loop3A_222 = %broadcast_in_dim3A_41) -> (vector<16xf32>)  : i32 {
        %parallel_loop3A_223 = arith.constant 0 : i32
        %parallel_loop3A_224 = arith.index_cast %parallel_loop3A_223 : i32 to index
        %parallel_loop3A_225 = arith.index_cast %parallel_loop3A_221 : i32 to index
        %parallel_loop3A_226 = tpu.vector_load %arg5[%parallel_loop3A_224, %parallel_loop3A_225] {strides = array<i32>} : memref<3x2048xf32, #tpu.memory_space<vmem>>, vector<16xf32>,
        %parallel_loop3A_227 = arith.subf %parallel_loop3A_226, %gather3A : vector<16xf32>
        %parallel_loop3A_228 = arith.constant 1 : i32
        %parallel_loop3A_229 = arith.index_cast %parallel_loop3A_228 : i32 to index
        %parallel_loop3A_230 = arith.index_cast %parallel_loop3A_221 : i32 to index
        %parallel_loop3A_231 = tpu.vector_load %arg5[%parallel_loop3A_229, %parallel_loop3A_230] {strides = array<i32>} : memref<3x2048xf32, #tpu.memory_space<vmem>>, vector<16xf32>,
        %parallel_loop3A_232 = arith.subf %parallel_loop3A_231, %gather3A_104 : vector<16xf32>
        %parallel_loop3A_233 = arith.constant 2 : i32
        %parallel_loop3A_234 = arith.index_cast %parallel_loop3A_233 : i32 to index
        %parallel_loop3A_235 = arith.index_cast %parallel_loop3A_221 : i32 to index
        %parallel_loop3A_236 = tpu.vector_load %arg5[%parallel_loop3A_234, %parallel_loop3A_235] {strides = array<i32>} : memref<3x2048xf32, #tpu.memory_space<vmem>>, vector<16xf32>,
        %parallel_loop3A_237 = arith.subf %parallel_loop3A_236, %gather3A_105 : vector<16xf32>
        %parallel_loop3A_238 = arith.mulf %parallel_loop3A_227, %parallel_loop3A_227 : vector<16xf32>
        %parallel_loop3A_239 = arith.mulf %parallel_loop3A_232, %parallel_loop3A_232 : vector<16xf32>
        %parallel_loop3A_240 = arith.addf %parallel_loop3A_238, %parallel_loop3A_239 : vector<16xf32>
        %parallel_loop3A_241 = arith.mulf %parallel_loop3A_237, %parallel_loop3A_237 : vector<16xf32>
        %parallel_loop3A_242 = arith.addf %parallel_loop3A_240, %parallel_loop3A_241 : vector<16xf32>
        %parallel_loop3A_243 = arith.index_cast %parallel_loop3A_221 : i32 to index
        %parallel_loop3A_244 = tpu.vector_load %arg7[%parallel_loop3A_243] {strides = array<i32>} : memref<2048xf32, #tpu.memory_space<vmem>>, vector<16xf32>,
        tpu.vector_store %arg7[%parallel_loop3A_243], %parallel_loop3A_242 {strides = array<i32>} : memref<2048xf32, #tpu.memory_space<vmem>>, vector<16xf32>,
        %parallel_loop3A_245 = arith.minimumf %parallel_loop3A_222, %parallel_loop3A_242 : vector<16xf32>
        scf.yield %parallel_loop3A_245 : vector<16xf32>
      } {sc.loop_unroll_factor = 16 : i64, sc.parallel_access}
      %reduce_max3A = arith.constant true
      %reduce_max3A_109 = vector.broadcast %reduce_max3A : i1 to vector<16xi1>
      %reduce_max3A_110 = tpu.scan <max>, %parallel_loop3A_108 masked %reduce_max3A_109 : vector<16xf32>, vector<16xi1> -> vector<16xf32>
      %reduce_max3A_111 = vector.extract %reduce_max3A_110[15] : f32 from vector<16xf32>
      %broadcast_in_dim3A_112 = vector.broadcast %reduce_max3A_111 : f32 to vector<16xf32>
      %swap3A_113 = arith.constant 0 : index
      %swap3A_114 = tpu.vector_load %arg8[%swap3A_113] {strides = array<i32>} : memref<256xf32, #tpu.memory_space<vmem>>, vector<16xf32>,
      tpu.vector_store %arg8[%swap3A_113], %broadcast_in_dim3A_41 {strides = array<i32>} : memref<256xf32, #tpu.memory_space<vmem>>, vector<16xf32>,
      %swap3A_115 = arith.constant 16 : index
      %swap3A_116 = tpu.vector_load %arg8[%swap3A_115] {strides = array<i32>} : memref<256xf32, #tpu.memory_space<vmem>>, vector<16xf32>,
      tpu.vector_store %arg8[%swap3A_115], %broadcast_in_dim3A_41 {strides = array<i32>} : memref<256xf32, #tpu.memory_space<vmem>>, vector<16xf32>,
      %swap3A_117 = arith.constant 32 : index
      %swap3A_118 = tpu.vector_load %arg8[%swap3A_117] {strides = array<i32>} : memref<256xf32, #tpu.memory_space<vmem>>, vector<16xf32>,
      tpu.vector_store %arg8[%swap3A_117], %broadcast_in_dim3A_41 {strides = array<i32>} : memref<256xf32, #tpu.memory_space<vmem>>, vector<16xf32>,
      %swap3A_119 = arith.constant 48 : index
      %swap3A_120 = tpu.vector_load %arg8[%swap3A_119] {strides = array<i32>} : memref<256xf32, #tpu.memory_space<vmem>>, vector<16xf32>,
      tpu.vector_store %arg8[%swap3A_119], %broadcast_in_dim3A_41 {strides = array<i32>} : memref<256xf32, #tpu.memory_space<vmem>>, vector<16xf32>,
      %swap3A_121 = arith.constant 64 : index
      %swap3A_122 = tpu.vector_load %arg8[%swap3A_121] {strides = array<i32>} : memref<256xf32, #tpu.memory_space<vmem>>, vector<16xf32>,
      tpu.vector_store %arg8[%swap3A_121], %broadcast_in_dim3A_41 {strides = array<i32>} : memref<256xf32, #tpu.memory_space<vmem>>, vector<16xf32>,
      %swap3A_123 = arith.constant 80 : index
      %swap3A_124 = tpu.vector_load %arg8[%swap3A_123] {strides = array<i32>} : memref<256xf32, #tpu.memory_space<vmem>>, vector<16xf32>,
      tpu.vector_store %arg8[%swap3A_123], %broadcast_in_dim3A_41 {strides = array<i32>} : memref<256xf32, #tpu.memory_space<vmem>>, vector<16xf32>,
      %swap3A_125 = arith.constant 96 : index
      %swap3A_126 = tpu.vector_load %arg8[%swap3A_125] {strides = array<i32>} : memref<256xf32, #tpu.memory_space<vmem>>, vector<16xf32>,
      tpu.vector_store %arg8[%swap3A_125], %broadcast_in_dim3A_41 {strides = array<i32>} : memref<256xf32, #tpu.memory_space<vmem>>, vector<16xf32>,
      %swap3A_127 = arith.constant 112 : index
      %swap3A_128 = tpu.vector_load %arg8[%swap3A_127] {strides = array<i32>} : memref<256xf32, #tpu.memory_space<vmem>>, vector<16xf32>,
      tpu.vector_store %arg8[%swap3A_127], %broadcast_in_dim3A_41 {strides = array<i32>} : memref<256xf32, #tpu.memory_space<vmem>>, vector<16xf32>,
      %swap3A_129 = arith.constant 128 : index
      %swap3A_130 = tpu.vector_load %arg8[%swap3A_129] {strides = array<i32>} : memref<256xf32, #tpu.memory_space<vmem>>, vector<16xf32>,
      tpu.vector_store %arg8[%swap3A_129], %broadcast_in_dim3A_41 {strides = array<i32>} : memref<256xf32, #tpu.memory_space<vmem>>, vector<16xf32>,
      %swap3A_131 = arith.constant 144 : index
      %swap3A_132 = tpu.vector_load %arg8[%swap3A_131] {strides = array<i32>} : memref<256xf32, #tpu.memory_space<vmem>>, vector<16xf32>,
      tpu.vector_store %arg8[%swap3A_131], %broadcast_in_dim3A_41 {strides = array<i32>} : memref<256xf32, #tpu.memory_space<vmem>>, vector<16xf32>,
      %swap3A_133 = arith.constant 160 : index
      %swap3A_134 = tpu.vector_load %arg8[%swap3A_133] {strides = array<i32>} : memref<256xf32, #tpu.memory_space<vmem>>, vector<16xf32>,
      tpu.vector_store %arg8[%swap3A_133], %broadcast_in_dim3A_41 {strides = array<i32>} : memref<256xf32, #tpu.memory_space<vmem>>, vector<16xf32>,
      %swap3A_135 = arith.constant 176 : index
      %swap3A_136 = tpu.vector_load %arg8[%swap3A_135] {strides = array<i32>} : memref<256xf32, #tpu.memory_space<vmem>>, vector<16xf32>,
      tpu.vector_store %arg8[%swap3A_135], %broadcast_in_dim3A_41 {strides = array<i32>} : memref<256xf32, #tpu.memory_space<vmem>>, vector<16xf32>,
      %swap3A_137 = arith.constant 192 : index
      %swap3A_138 = tpu.vector_load %arg8[%swap3A_137] {strides = array<i32>} : memref<256xf32, #tpu.memory_space<vmem>>, vector<16xf32>,
      tpu.vector_store %arg8[%swap3A_137], %broadcast_in_dim3A_41 {strides = array<i32>} : memref<256xf32, #tpu.memory_space<vmem>>, vector<16xf32>,
      %swap3A_139 = arith.constant 208 : index
      %swap3A_140 = tpu.vector_load %arg8[%swap3A_139] {strides = array<i32>} : memref<256xf32, #tpu.memory_space<vmem>>, vector<16xf32>,
      tpu.vector_store %arg8[%swap3A_139], %broadcast_in_dim3A_41 {strides = array<i32>} : memref<256xf32, #tpu.memory_space<vmem>>, vector<16xf32>,
      %swap3A_141 = arith.constant 224 : index
      %swap3A_142 = tpu.vector_load %arg8[%swap3A_141] {strides = array<i32>} : memref<256xf32, #tpu.memory_space<vmem>>, vector<16xf32>,
      tpu.vector_store %arg8[%swap3A_141], %broadcast_in_dim3A_41 {strides = array<i32>} : memref<256xf32, #tpu.memory_space<vmem>>, vector<16xf32>,
      %swap3A_143 = arith.constant 240 : index
      %swap3A_144 = tpu.vector_load %arg8[%swap3A_143] {strides = array<i32>} : memref<256xf32, #tpu.memory_space<vmem>>, vector<16xf32>,
      tpu.vector_store %arg8[%swap3A_143], %broadcast_in_dim3A_41 {strides = array<i32>} : memref<256xf32, #tpu.memory_space<vmem>>, vector<16xf32>,
      %broadcast_in_dim3A_145 = arith.constant 0 : i32
      %broadcast_in_dim3A_146 = vector.broadcast %broadcast_in_dim3A_145 : i32 to vector<16xi32>
      %parallel_loop3A_147 = arith.constant 0 : i32
      %parallel_loop3A_148 = arith.constant 2048 : i32
      %parallel_loop3A_149 = arith.constant 16 : i32
      %parallel_loop3A_150 = scf.for %parallel_loop3A_221 = %parallel_loop3A_147 to %parallel_loop3A_148 step %parallel_loop3A_149 iter_args(%parallel_loop3A_222 = %broadcast_in_dim3A_146) -> (vector<16xi32>)  : i32 {
        %parallel_loop3A_223 = arith.index_cast %parallel_loop3A_221 : i32 to index
        %parallel_loop3A_224 = tpu.vector_load %arg7[%parallel_loop3A_223] {strides = array<i32>} : memref<2048xf32, #tpu.memory_space<vmem>>, vector<16xf32>,
        %parallel_loop3A_225 = arith.cmpf ole, %parallel_loop3A_224, %broadcast_in_dim3A_112 : vector<16xf32>
        %parallel_loop3A_226 = arith.constant 1 : i32
        %parallel_loop3A_227 = vector.broadcast %parallel_loop3A_226 : i32 to vector<16xi32>
        %parallel_loop3A_228 = tpu.scan <sum>, %parallel_loop3A_227 masked %parallel_loop3A_225 : vector<16xi32>, vector<16xi1> -> vector<16xi32>
        %parallel_loop3A_229 = arith.addi %parallel_loop3A_222, %parallel_loop3A_228 : vector<16xi32>
        %parallel_loop3A_230 = arith.constant 1 : i32
        %parallel_loop3A_231 = vector.broadcast %parallel_loop3A_230 : i32 to vector<16xi32>
        %parallel_loop3A_232 = arith.subi %parallel_loop3A_229, %parallel_loop3A_231 : vector<16xi32>
        %parallel_loop3A_233 = arith.constant 256 : i32
        %parallel_loop3A_234 = vector.broadcast %parallel_loop3A_233 : i32 to vector<16xi32>
        %parallel_loop3A_235 = arith.cmpi slt, %parallel_loop3A_232, %parallel_loop3A_234 : vector<16xi32>
        %parallel_loop3A_236 = arith.andi %parallel_loop3A_225, %parallel_loop3A_235 : vector<16xi1>
        tpu.vector_store_idx %arg8[%parallel_loop3A_232], %parallel_loop3A_224 masked %parallel_loop3A_236 : memref<256xf32, #tpu.memory_space<vmem>>[vector<16xi32>], vector<16xf32>, vector<16xi1>
        %parallel_loop3A_237 = vector.broadcast %parallel_loop3A_221 : i32 to vector<16xi32>
        %parallel_loop3A_238 = arith.addi %parallel_loop3A_237, %iota3A : vector<16xi32>
        tpu.vector_store_idx %arg9[%parallel_loop3A_232], %parallel_loop3A_238 masked %parallel_loop3A_236 : memref<256xi32, #tpu.memory_space<vmem>>[vector<16xi32>], vector<16xi32>, vector<16xi1>
        %parallel_loop3A_239 = tpu.all_reduce %parallel_loop3A_236 {dim = 0 : i64, kind = #tpu.reduction_kind<sum>} : vector<16xi1> -> vector<16xi32>
        %parallel_loop3A_240 = arith.addi %parallel_loop3A_222, %parallel_loop3A_239 : vector<16xi32>
        scf.yield %parallel_loop3A_240 : vector<16xi32>
      } {sc.loop_unroll_factor = 8 : i64, sc.parallel_access}
      %reduce_max3A_151 = arith.constant true
      %reduce_max3A_152 = vector.broadcast %reduce_max3A_151 : i1 to vector<16xi1>
      %reduce_max3A_153 = arith.constant -2147483648 : i32
      %reduce_max3A_154 = vector.broadcast %reduce_max3A_153 : i32 to vector<16xi32>
      %reduce_max3A_155 = arith.xori %parallel_loop3A_150, %reduce_max3A_154 : vector<16xi32>
      %reduce_max3A_156 = tpu.scan <max>, %reduce_max3A_155 masked %reduce_max3A_152 : vector<16xi32>, vector<16xi1> -> vector<16xi32>
      %reduce_max3A_157 = arith.xori %reduce_max3A_156, %reduce_max3A_154 : vector<16xi32>
      %reduce_max3A_158 = vector.extract %reduce_max3A_157[15] : i32 from vector<16xi32>
      %add3A_159 = arith.constant 16 : i32
      %add3A_160 = arith.addi %reduce_max3A_158, %add3A_159 : i32
      %sub3A_161 = arith.constant 1 : i32
      %sub3A_162 = arith.subi %add3A_160, %sub3A_161 : i32
      %jit3A_163 = arith.constant 16 : i32
      %div3A_164 = arith.divsi %sub3A_162, %jit3A_163 : i32
      %sign3A_165 = arith.constant 0 : i32
      %sign3A_166 = arith.cmpi sgt, %sub3A_162, %sign3A_165 : i32
      %sign3A_167 = arith.extui %sign3A_166 : i1 to i32
      %sign3A_168 = arith.constant 0 : i32
      %sign3A_169 = arith.cmpi slt, %sub3A_162, %sign3A_168 : i32
      %sign3A_170 = arith.extui %sign3A_169 : i1 to i32
      %sign3A_171 = arith.subi %sign3A_167, %sign3A_170 : i32
      %sign3A_172 = arith.constant 0 : i32
      %sign3A_173 = arith.cmpi sgt, %jit3A_163, %sign3A_172 : i32
      %sign3A_174 = arith.extui %sign3A_173 : i1 to i32
      %sign3A_175 = arith.constant 0 : i32
      %sign3A_176 = arith.cmpi slt, %jit3A_163, %sign3A_175 : i32
      %sign3A_177 = arith.extui %sign3A_176 : i1 to i32
      %sign3A_178 = arith.subi %sign3A_174, %sign3A_177 : i32
      %ne3A_179 = arith.cmpi ne, %sign3A_171, %sign3A_178 : i32
      %rem3A_180 = arith.remsi %sub3A_162, %jit3A_163 : i32
      %ne3A_181 = arith.constant 0 : i32
      %ne3A_182 = arith.cmpi ne, %rem3A_180, %ne3A_181 : i32
      %and3A_183 = arith.andi %ne3A_179, %ne3A_182 : i1
      %sub3A_184 = arith.constant 1 : i32
      %sub3A_185 = arith.subi %div3A_164, %sub3A_184 : i32
      %select_n3A_186 = arith.select %and3A_183, %sub3A_185, %div3A_164 : i32
      %min3A = arith.constant 16 : i32
      %min3A_187 = arith.minsi %select_n3A_186, %min3A : i32
      %get3A = arith.constant 0 : index
      %get3A_188 = tpu.vector_load %arg8[%get3A] {strides = array<i32>} : memref<256xf32, #tpu.memory_space<vmem>>, vector<16xf32>,
      %get3A_189 = arith.constant 0 : index
      %get3A_190 = tpu.vector_load %arg9[%get3A_189] {strides = array<i32>} : memref<256xi32, #tpu.memory_space<vmem>>, vector<16xi32>,
      %masked_sort3A = arith.constant dense<true> : vector<16xi1>
      %masked_sort3A_191, %masked_sort3A_192, %masked_sort3A_193 = tpu.sort %get3A_188, %get3A_190 masked %masked_sort3A : (vector<16xf32>, vector<16xi32>, vector<16xi1>) -> (vector<16xi1>, vector<16xf32>, vector<16xi32>)
      %while3A = arith.constant 1 : i32
      %while3A_194 = arith.subi %min3A_187, %while3A : i32
      %while3A_195 = arith.addi %while3A, %while3A_194 : i32
      %while3A_196 = arith.constant 1 : i32
      %while3A_197 = arith.divsi %while3A_194, %while3A_196 : i32
      %while3A_198 = arith.muli %while3A_197, %while3A_196 : i32
      %while3A_199 = arith.addi %while3A, %while3A_198 : i32
      %while3A_200 = arith.constant 1 : i32
      %while3A_201:2 = scf.for %while3A_221 = %while3A to %while3A_199 step %while3A_200 iter_args(%while3A_222 = %masked_sort3A_192, %while3A_223 = %masked_sort3A_193) -> (vector<16xf32>, vector<16xi32>)  : i32 {
        %mul3A_224 = arith.constant 16 : i32
        %mul3A_225 = arith.muli %while3A_221, %mul3A_224 : i32
        %get3A_226 = arith.index_cast %mul3A_225 : i32 to index
        %get3A_227 = tpu.vector_load %arg8[%get3A_226] {strides = array<i32>} : memref<256xf32, #tpu.memory_space<vmem>>, vector<16xf32>,
        %mul3A_228 = arith.constant 16 : i32
        %mul3A_229 = arith.muli %while3A_221, %mul3A_228 : i32
        %get3A_230 = arith.index_cast %mul3A_229 : i32 to index
        %get3A_231 = tpu.vector_load %arg9[%get3A_230] {strides = array<i32>} : memref<256xi32, #tpu.memory_space<vmem>>, vector<16xi32>,
        %masked_sort3A_232 = arith.constant dense<true> : vector<16xi1>
        %masked_sort3A_233, %masked_sort3A_234, %masked_sort3A_235 = tpu.sort %get3A_227, %get3A_231 masked %masked_sort3A_232 : (vector<16xf32>, vector<16xi32>, vector<16xi1>) -> (vector<16xi1>, vector<16xf32>, vector<16xi32>)
        %rev3A = arith.constant 15 : i32
        %rev3A_236 = vector.broadcast %rev3A : i32 to vector<16xi32>
        %rev3A_237 = tpu.iota {dimensions = array<i32: 0>} : vector<16xi32>
        %rev3A_238 = arith.subi %rev3A_236, %rev3A_237 : vector<16xi32>
        %rev3A_239 = tpu.dynamic_gather %masked_sort3A_234[%rev3A_238] in [0] : vector<16xf32>, vector<16xi32> -> vector<16xf32>
        %rev3A_240 = arith.constant 15 : i32
        %rev3A_241 = vector.broadcast %rev3A_240 : i32 to vector<16xi32>
        %rev3A_242 = tpu.iota {dimensions = array<i32: 0>} : vector<16xi32>
        %rev3A_243 = arith.subi %rev3A_241, %rev3A_242 : vector<16xi32>
        %rev3A_244 = tpu.dynamic_gather %masked_sort3A_235[%rev3A_243] in [0] : vector<16xi32>, vector<16xi32> -> vector<16xi32>
        %le3A = arith.cmpf ole, %while3A_222, %rev3A_239 : vector<16xf32>
        %select_n3A_245 = arith.select %le3A, %while3A_222, %rev3A_239 : vector<16xi1>, vector<16xf32>
        %select_n3A_246 = arith.select %le3A, %while3A_223, %rev3A_244 : vector<16xi1>, vector<16xi32>
        %masked_sort3A_247 = arith.constant dense<true> : vector<16xi1>
        %masked_sort3A_248, %masked_sort3A_249, %masked_sort3A_250 = tpu.sort %select_n3A_245, %select_n3A_246 masked %masked_sort3A_247 : (vector<16xf32>, vector<16xi32>, vector<16xi1>) -> (vector<16xi1>, vector<16xf32>, vector<16xi32>)
        scf.yield %masked_sort3A_249, %masked_sort3A_250 : vector<16xf32>, vector<16xi32>
      }
      %while3A_202 = arith.constant 1 : i32
      %while3A_203:2 = scf.for %while3A_221 = %while3A_199 to %while3A_195 step %while3A_202 iter_args(%while3A_222 = %while3A_201#0, %while3A_223 = %while3A_201#1) -> (vector<16xf32>, vector<16xi32>)  : i32 {
        %mul3A_224 = arith.constant 16 : i32
        %mul3A_225 = arith.muli %while3A_221, %mul3A_224 : i32
        %get3A_226 = arith.index_cast %mul3A_225 : i32 to index
        %get3A_227 = tpu.vector_load %arg8[%get3A_226] {strides = array<i32>} : memref<256xf32, #tpu.memory_space<vmem>>, vector<16xf32>,
        %mul3A_228 = arith.constant 16 : i32
        %mul3A_229 = arith.muli %while3A_221, %mul3A_228 : i32
        %get3A_230 = arith.index_cast %mul3A_229 : i32 to index
        %get3A_231 = tpu.vector_load %arg9[%get3A_230] {strides = array<i32>} : memref<256xi32, #tpu.memory_space<vmem>>, vector<16xi32>,
        %masked_sort3A_232 = arith.constant dense<true> : vector<16xi1>
        %masked_sort3A_233, %masked_sort3A_234, %masked_sort3A_235 = tpu.sort %get3A_227, %get3A_231 masked %masked_sort3A_232 : (vector<16xf32>, vector<16xi32>, vector<16xi1>) -> (vector<16xi1>, vector<16xf32>, vector<16xi32>)
        %rev3A = arith.constant 15 : i32
        %rev3A_236 = vector.broadcast %rev3A : i32 to vector<16xi32>
        %rev3A_237 = tpu.iota {dimensions = array<i32: 0>} : vector<16xi32>
        %rev3A_238 = arith.subi %rev3A_236, %rev3A_237 : vector<16xi32>
        %rev3A_239 = tpu.dynamic_gather %masked_sort3A_234[%rev3A_238] in [0] : vector<16xf32>, vector<16xi32> -> vector<16xf32>
        %rev3A_240 = arith.constant 15 : i32
        %rev3A_241 = vector.broadcast %rev3A_240 : i32 to vector<16xi32>
        %rev3A_242 = tpu.iota {dimensions = array<i32: 0>} : vector<16xi32>
        %rev3A_243 = arith.subi %rev3A_241, %rev3A_242 : vector<16xi32>
        %rev3A_244 = tpu.dynamic_gather %masked_sort3A_235[%rev3A_243] in [0] : vector<16xi32>, vector<16xi32> -> vector<16xi32>
        %le3A = arith.cmpf ole, %while3A_222, %rev3A_239 : vector<16xf32>
        %select_n3A_245 = arith.select %le3A, %while3A_222, %rev3A_239 : vector<16xi1>, vector<16xf32>
        %select_n3A_246 = arith.select %le3A, %while3A_223, %rev3A_244 : vector<16xi1>, vector<16xi32>
        %masked_sort3A_247 = arith.constant dense<true> : vector<16xi1>
        %masked_sort3A_248, %masked_sort3A_249, %masked_sort3A_250 = tpu.sort %select_n3A_245, %select_n3A_246 masked %masked_sort3A_247 : (vector<16xf32>, vector<16xi32>, vector<16xi1>) -> (vector<16xi1>, vector<16xf32>, vector<16xi32>)
        scf.yield %masked_sort3A_249, %masked_sort3A_250 : vector<16xf32>, vector<16xi32>
      }
      %gather3A_204 = tpu.vector_load_idx %arg6[%broadcast_in_dim3A_35, %broadcast_in_dim3A_103] : memref<3x2048xf32, #tpu.memory_space<vmem>>[vector<16xi32>, vector<16xi32>], vector<16xf32>,
      %gather3A_205 = tpu.vector_load_idx %arg6[%broadcast_in_dim3A_37, %broadcast_in_dim3A_103] : memref<3x2048xf32, #tpu.memory_space<vmem>>[vector<16xi32>, vector<16xi32>], vector<16xf32>,
      %gather3A_206 = tpu.vector_load_idx %arg6[%broadcast_in_dim3A_39, %broadcast_in_dim3A_103] : memref<3x2048xf32, #tpu.memory_space<vmem>>[vector<16xi32>, vector<16xi32>], vector<16xf32>,
      %gather3A_207 = tpu.vector_load_idx %arg6[%broadcast_in_dim3A_35, %while3A_203#1] : memref<3x2048xf32, #tpu.memory_space<vmem>>[vector<16xi32>, vector<16xi32>], vector<16xf32>,
      %gather3A_208 = tpu.vector_load_idx %arg6[%broadcast_in_dim3A_37, %while3A_203#1] : memref<3x2048xf32, #tpu.memory_space<vmem>>[vector<16xi32>, vector<16xi32>], vector<16xf32>,
      %gather3A_209 = tpu.vector_load_idx %arg6[%broadcast_in_dim3A_39, %while3A_203#1] : memref<3x2048xf32, #tpu.memory_space<vmem>>[vector<16xi32>, vector<16xi32>], vector<16xf32>,
      %sub3A_210 = arith.subf %gather3A_207, %gather3A_204 : vector<16xf32>
      %sub3A_211 = arith.subf %gather3A_208, %gather3A_205 : vector<16xf32>
      %sub3A_212 = arith.subf %gather3A_209, %gather3A_206 : vector<16xf32>
      %mul3A_213 = arith.mulf %sub3A_210, %sub3A_210 : vector<16xf32>
      %mul3A_214 = arith.mulf %sub3A_211, %sub3A_211 : vector<16xf32>
      %add3A_215 = arith.addf %mul3A_213, %mul3A_214 : vector<16xf32>
      %mul3A_216 = arith.mulf %sub3A_212, %sub3A_212 : vector<16xf32>
      %add3A_217 = arith.addf %add3A_215, %mul3A_216 : vector<16xf32>
      %sub3A_218 = arith.subf %while3A_203#0, %add3A_217 : vector<16xf32>
      %mul3A_219 = arith.mulf %sub3A_218, %sub3A_218 : vector<16xf32>
      %add3A_220 = arith.addf %scan3A_101, %mul3A_219 : vector<16xf32>
      scf.yield %add3A_220 : vector<16xf32>
    }
    %scan3A_97 = arith.constant 104 : i32
    %swap3A_98 = arith.constant 0 : index
    %swap3A_99 = tpu.vector_load %arg10[%swap3A_98] {strides = array<i32>} : memref<16xf32, #tpu.memory_space<vmem>>, vector<16xf32>,
    tpu.vector_store %arg10[%swap3A_98], %scan3A_96 {strides = array<i32>} : memref<16xf32, #tpu.memory_space<vmem>>, vector<16xf32>,
    "tpu.region"() ({
      %run_scoped3A = tpu.sem_alloc : memref<!tpu.dma_semaphore, #tpu.memory_space<semaphore_mem>>
      %dma_start3A = arith.constant 0 : i32
      %dma_start3A_100 = tpu.memref_slice %arg4[%add3A, %dma_start3A] : memref<32x16xf32, #tpu.memory_space<hbm>> -> memref<1x16xf32, #tpu.memory_space<hbm>>
      %dma_start3A_101 = tpu.memref_squeeze %dma_start3A_100 : memref<1x16xf32, #tpu.memory_space<hbm>> -> memref<16xf32, #tpu.memory_space<hbm>>
      %dma_start3A_102 = arith.constant 0 : i32
      %dma_start3A_103 = tpu.memref_slice %arg4[%add3A, %dma_start3A_102] : memref<32x16xf32, #tpu.memory_space<hbm>> -> memref<1x16xf32, #tpu.memory_space<hbm>>
      %dma_start3A_104 = tpu.memref_squeeze %dma_start3A_103 : memref<1x16xf32, #tpu.memory_space<hbm>> -> memref<16xf32, #tpu.memory_space<hbm>>
      tpu.enqueue_dma source(%arg10 : memref<16xf32, #tpu.memory_space<vmem>>) target(%dma_start3A_104 : memref<16xf32, #tpu.memory_space<hbm>>) target_semaphore(%run_scoped3A : memref<!tpu.dma_semaphore, #tpu.memory_space<semaphore_mem>>)
      %dma_wait3A = arith.constant 0 : i32
      %dma_wait3A_105 = tpu.memref_slice %arg4[%add3A, %dma_wait3A] : memref<32x16xf32, #tpu.memory_space<hbm>> -> memref<1x16xf32, #tpu.memory_space<hbm>>
      %dma_wait3A_106 = tpu.memref_squeeze %dma_wait3A_105 : memref<1x16xf32, #tpu.memory_space<hbm>> -> memref<16xf32, #tpu.memory_space<hbm>>
      %dma_wait3A_107 = arith.constant 0 : i32
      %dma_wait3A_108 = tpu.memref_slice %arg4[%add3A, %dma_wait3A_107] : memref<32x16xf32, #tpu.memory_space<hbm>> -> memref<1x16xf32, #tpu.memory_space<hbm>>
      %dma_wait3A_109 = tpu.memref_squeeze %dma_wait3A_108 : memref<1x16xf32, #tpu.memory_space<hbm>> -> memref<16xf32, #tpu.memory_space<hbm>>
      tpu.wait_dma2 semaphore(%run_scoped3A : memref<!tpu.dma_semaphore, #tpu.memory_space<semaphore_mem>>) src(%arg10 : memref<16xf32, #tpu.memory_space<vmem>>) dst(%dma_wait3A_109 : memref<16xf32, #tpu.memory_space<hbm>>)
      tpu.yield
    }) : () -> ()
    return
  }
}

module attributes {stable_mosaic.version = 14 : i64} {
  func.func @_tc_block(%arg0: i32, %arg1: i32, %arg2: memref<1x2048x3xf32, #tpu.memory_space<vmem>>, %arg3: memref<1x3x2048xf32, #tpu.memory_space<vmem>>, %arg4: memref<1x2048x3xf32, #tpu.memory_space<vmem>>, %arg5: memref<1x3x2048xf32, #tpu.memory_space<vmem>>, %arg6: memref<1x1x1x1xf32, #tpu.memory_space<vmem>>) attributes {dimension_semantics = [#tpu.dimension_semantics<arbitrary>, #tpu.dimension_semantics<arbitrary>], iteration_bounds = array<i64: 4, 4>, scalar_prefetch = 0 : i64, scratch_operands = 0 : i64, tpu.core_type = #tpu.core_type<tc>, window_params = [{transform_indices = @transform_0, window_bounds = array<i64: 1, 2048, 3>}, {transform_indices = @transform_1, window_bounds = array<i64: 1, 3, 2048>}, {transform_indices = @transform_2, window_bounds = array<i64: 1, 2048, 3>}, {transform_indices = @transform_3, window_bounds = array<i64: 1, 3, 2048>}, {transform_indices = @transform_4, window_bounds = array<i64: 1, 1, 1, 1>}]} {
    %mul3A = arith.constant 304 : i32
    %mul3A_0 = arith.muli %arg1, %mul3A : i32
    %get3A = arith.constant 0 : index
    %get3A_1 = arith.constant 0 : index
    %get3A_2 = arith.constant 0 : index
    %get3A_3 = vector.load %arg3[%get3A, %get3A_1, %get3A_2] : memref<1x3x2048xf32, #tpu.memory_space<vmem>>, vector<1x3x2048xf32>
    %get3A_4 = vector.shape_cast %get3A_3 : vector<1x3x2048xf32> to vector<3x2048xf32>
    %get3A_5 = arith.constant 0 : index
    %get3A_6 = arith.constant 0 : index
    %get3A_7 = arith.constant 0 : index
    %get3A_8 = vector.load %arg5[%get3A_5, %get3A_6, %get3A_7] : memref<1x3x2048xf32, #tpu.memory_space<vmem>>, vector<1x3x2048xf32>
    %get3A_9 = vector.shape_cast %get3A_8 : vector<1x3x2048xf32> to vector<3x2048xf32>
    %get3A_10 = arith.constant 0 : index
    %get3A_11 = arith.index_cast %mul3A_0 : i32 to index
    %get3A_12 = arith.constant 0 : index
    %get3A_13 = vector.load %arg2[%get3A_10, %get3A_11, %get3A_12] : memref<1x2048x3xf32, #tpu.memory_space<vmem>>, vector<1x304x3xf32>
    %get3A_14 = vector.shape_cast %get3A_13 : vector<1x304x3xf32> to vector<304x3xf32>
    %get3A_15 = arith.constant 0 : index
    %get3A_16 = arith.index_cast %mul3A_0 : i32 to index
    %get3A_17 = arith.constant 0 : index
    %get3A_18 = vector.load %arg4[%get3A_15, %get3A_16, %get3A_17] : memref<1x2048x3xf32, #tpu.memory_space<vmem>>, vector<1x304x3xf32>
    %get3A_19 = vector.shape_cast %get3A_18 : vector<1x304x3xf32> to vector<304x3xf32>
    %mul3A_20 = arith.mulf %get3A_14, %get3A_14 : vector<304x3xf32>
    %reduce_sum3A = arith.constant dense<0.000000e+00> : vector<304xf32>
    %reduce_sum3A_21 = vector.multi_reduction <add>, %mul3A_20, %reduce_sum3A [1] : vector<304x3xf32> to vector<304xf32>
    %broadcast_in_dim3A = vector.shape_cast %reduce_sum3A_21 : vector<304xf32> to vector<304x1xf32>
    %mul3A_22 = arith.mulf %get3A_4, %get3A_4 : vector<3x2048xf32>
    %reduce_sum3A_23 = arith.constant dense<0.000000e+00> : vector<2048xf32>
    %reduce_sum3A_24 = vector.multi_reduction <add>, %mul3A_22, %reduce_sum3A_23 [0] : vector<3x2048xf32> to vector<2048xf32>
    %broadcast_in_dim3A_25 = vector.shape_cast %reduce_sum3A_24 : vector<2048xf32> to vector<1x2048xf32>
    %dot_general3A = arith.constant dense<0.000000e+00> : vector<304x2048xf32>
    %dot_general3A_26 = tpu.matmul %get3A_14, %get3A_4, %dot_general3A {dimension_numbers = #tpu.dot_dimension_numbers<[1], [0], [0], [1], [0, 0, 1, 1], [], []>, transpose_lhs_hint = false} : vector<304x3xf32>, vector<3x2048xf32>, vector<304x2048xf32> -> vector<304x2048xf32>
    %add3A = vector.broadcast %broadcast_in_dim3A : vector<304x1xf32> to vector<304x2048xf32>
    %add3A_27 = vector.broadcast %broadcast_in_dim3A_25 : vector<1x2048xf32> to vector<304x2048xf32>
    %add3A_28 = arith.addf %add3A, %add3A_27 : vector<304x2048xf32>
    %mul3A_29 = arith.constant 2.000000e+00 : f32
    %mul3A_30 = vector.broadcast %mul3A_29 : f32 to vector<304x2048xf32>
    %mul3A_31 = arith.mulf %mul3A_30, %dot_general3A_26 : vector<304x2048xf32>
    %sub3A = arith.subf %add3A_28, %mul3A_31 : vector<304x2048xf32>
    %max3A = arith.constant 0.000000e+00 : f32
    %max3A_32 = vector.broadcast %max3A : f32 to vector<304x2048xf32>
    %max3A_33 = arith.maximumf %sub3A, %max3A_32 : vector<304x2048xf32>
    %mul3A_34 = arith.mulf %get3A_19, %get3A_19 : vector<304x3xf32>
    %reduce_sum3A_35 = arith.constant dense<0.000000e+00> : vector<304xf32>
    %reduce_sum3A_36 = vector.multi_reduction <add>, %mul3A_34, %reduce_sum3A_35 [1] : vector<304x3xf32> to vector<304xf32>
    %broadcast_in_dim3A_37 = vector.shape_cast %reduce_sum3A_36 : vector<304xf32> to vector<304x1xf32>
    %mul3A_38 = arith.mulf %get3A_9, %get3A_9 : vector<3x2048xf32>
    %reduce_sum3A_39 = arith.constant dense<0.000000e+00> : vector<2048xf32>
    %reduce_sum3A_40 = vector.multi_reduction <add>, %mul3A_38, %reduce_sum3A_39 [0] : vector<3x2048xf32> to vector<2048xf32>
    %broadcast_in_dim3A_41 = vector.shape_cast %reduce_sum3A_40 : vector<2048xf32> to vector<1x2048xf32>
    %dot_general3A_42 = arith.constant dense<0.000000e+00> : vector<304x2048xf32>
    %dot_general3A_43 = tpu.matmul %get3A_19, %get3A_9, %dot_general3A_42 {dimension_numbers = #tpu.dot_dimension_numbers<[1], [0], [0], [1], [0, 0, 1, 1], [], []>, transpose_lhs_hint = false} : vector<304x3xf32>, vector<3x2048xf32>, vector<304x2048xf32> -> vector<304x2048xf32>
    %add3A_44 = vector.broadcast %broadcast_in_dim3A_37 : vector<304x1xf32> to vector<304x2048xf32>
    %add3A_45 = vector.broadcast %broadcast_in_dim3A_41 : vector<1x2048xf32> to vector<304x2048xf32>
    %add3A_46 = arith.addf %add3A_44, %add3A_45 : vector<304x2048xf32>
    %mul3A_47 = arith.constant 2.000000e+00 : f32
    %mul3A_48 = vector.broadcast %mul3A_47 : f32 to vector<304x2048xf32>
    %mul3A_49 = arith.mulf %mul3A_48, %dot_general3A_43 : vector<304x2048xf32>
    %sub3A_50 = arith.subf %add3A_46, %mul3A_49 : vector<304x2048xf32>
    %max3A_51 = arith.constant 0.000000e+00 : f32
    %max3A_52 = vector.broadcast %max3A_51 : f32 to vector<304x2048xf32>
    %max3A_53 = arith.maximumf %sub3A_50, %max3A_52 : vector<304x2048xf32>
    %reduce_min3A = arith.constant dense<0x7F800000> : vector<304xf32>
    %reduce_min3A_54 = vector.multi_reduction <minimumf>, %max3A_33, %reduce_min3A [1] : vector<304x2048xf32> to vector<304xf32>
    %broadcast_in_dim3A_55 = vector.shape_cast %reduce_min3A_54 : vector<304xf32> to vector<304x1xf32>
    %gt3A = vector.broadcast %broadcast_in_dim3A_55 : vector<304x1xf32> to vector<304x2048xf32>
    %gt3A_56 = arith.cmpf ogt, %max3A_33, %gt3A : vector<304x2048xf32>
    %jit3A = arith.constant 0x7F800000 : f32
    %broadcast_in_dim3A_57 = vector.broadcast %jit3A : f32 to vector<304x2048xf32>
    %select_n3A = arith.select %gt3A_56, %max3A_33, %broadcast_in_dim3A_57 : vector<304x2048xi1>, vector<304x2048xf32>
    %reduce_min3A_58 = arith.constant dense<0x7F800000> : vector<304xf32>
    %reduce_min3A_59 = vector.multi_reduction <minimumf>, %select_n3A, %reduce_min3A_58 [1] : vector<304x2048xf32> to vector<304xf32>
    %broadcast_in_dim3A_60 = vector.shape_cast %reduce_min3A_59 : vector<304xf32> to vector<304x1xf32>
    %gt3A_61 = vector.broadcast %broadcast_in_dim3A_60 : vector<304x1xf32> to vector<304x2048xf32>
    %gt3A_62 = arith.cmpf ogt, %max3A_33, %gt3A_61 : vector<304x2048xf32>
    %jit3A_63 = arith.constant 0x7F800000 : f32
    %broadcast_in_dim3A_64 = vector.broadcast %jit3A_63 : f32 to vector<304x2048xf32>
    %select_n3A_65 = arith.select %gt3A_62, %max3A_33, %broadcast_in_dim3A_64 : vector<304x2048xi1>, vector<304x2048xf32>
    %reduce_min3A_66 = arith.constant dense<0x7F800000> : vector<304xf32>
    %reduce_min3A_67 = vector.multi_reduction <minimumf>, %select_n3A_65, %reduce_min3A_66 [1] : vector<304x2048xf32> to vector<304xf32>
    %broadcast_in_dim3A_68 = vector.shape_cast %reduce_min3A_67 : vector<304xf32> to vector<304x1xf32>
    %gt3A_69 = vector.broadcast %broadcast_in_dim3A_68 : vector<304x1xf32> to vector<304x2048xf32>
    %gt3A_70 = arith.cmpf ogt, %max3A_33, %gt3A_69 : vector<304x2048xf32>
    %jit3A_71 = arith.constant 0x7F800000 : f32
    %broadcast_in_dim3A_72 = vector.broadcast %jit3A_71 : f32 to vector<304x2048xf32>
    %select_n3A_73 = arith.select %gt3A_70, %max3A_33, %broadcast_in_dim3A_72 : vector<304x2048xi1>, vector<304x2048xf32>
    %reduce_min3A_74 = arith.constant dense<0x7F800000> : vector<304xf32>
    %reduce_min3A_75 = vector.multi_reduction <minimumf>, %select_n3A_73, %reduce_min3A_74 [1] : vector<304x2048xf32> to vector<304xf32>
    %broadcast_in_dim3A_76 = vector.shape_cast %reduce_min3A_75 : vector<304xf32> to vector<304x1xf32>
    %gt3A_77 = vector.broadcast %broadcast_in_dim3A_76 : vector<304x1xf32> to vector<304x2048xf32>
    %gt3A_78 = arith.cmpf ogt, %max3A_33, %gt3A_77 : vector<304x2048xf32>
    %jit3A_79 = arith.constant 0x7F800000 : f32
    %broadcast_in_dim3A_80 = vector.broadcast %jit3A_79 : f32 to vector<304x2048xf32>
    %select_n3A_81 = arith.select %gt3A_78, %max3A_33, %broadcast_in_dim3A_80 : vector<304x2048xi1>, vector<304x2048xf32>
    %reduce_min3A_82 = arith.constant dense<0x7F800000> : vector<304xf32>
    %reduce_min3A_83 = vector.multi_reduction <minimumf>, %select_n3A_81, %reduce_min3A_82 [1] : vector<304x2048xf32> to vector<304xf32>
    %broadcast_in_dim3A_84 = vector.shape_cast %reduce_min3A_83 : vector<304xf32> to vector<304x1xf32>
    %gt3A_85 = vector.broadcast %broadcast_in_dim3A_84 : vector<304x1xf32> to vector<304x2048xf32>
    %gt3A_86 = arith.cmpf ogt, %max3A_33, %gt3A_85 : vector<304x2048xf32>
    %jit3A_87 = arith.constant 0x7F800000 : f32
    %broadcast_in_dim3A_88 = vector.broadcast %jit3A_87 : f32 to vector<304x2048xf32>
    %select_n3A_89 = arith.select %gt3A_86, %max3A_33, %broadcast_in_dim3A_88 : vector<304x2048xi1>, vector<304x2048xf32>
    %reduce_min3A_90 = arith.constant dense<0x7F800000> : vector<304xf32>
    %reduce_min3A_91 = vector.multi_reduction <minimumf>, %select_n3A_89, %reduce_min3A_90 [1] : vector<304x2048xf32> to vector<304xf32>
    %broadcast_in_dim3A_92 = vector.shape_cast %reduce_min3A_91 : vector<304xf32> to vector<304x1xf32>
    %gt3A_93 = vector.broadcast %broadcast_in_dim3A_92 : vector<304x1xf32> to vector<304x2048xf32>
    %gt3A_94 = arith.cmpf ogt, %max3A_33, %gt3A_93 : vector<304x2048xf32>
    %jit3A_95 = arith.constant 0x7F800000 : f32
    %broadcast_in_dim3A_96 = vector.broadcast %jit3A_95 : f32 to vector<304x2048xf32>
    %select_n3A_97 = arith.select %gt3A_94, %max3A_33, %broadcast_in_dim3A_96 : vector<304x2048xi1>, vector<304x2048xf32>
    %reduce_min3A_98 = arith.constant dense<0x7F800000> : vector<304xf32>
    %reduce_min3A_99 = vector.multi_reduction <minimumf>, %select_n3A_97, %reduce_min3A_98 [1] : vector<304x2048xf32> to vector<304xf32>
    %broadcast_in_dim3A_100 = vector.shape_cast %reduce_min3A_99 : vector<304xf32> to vector<304x1xf32>
    %gt3A_101 = vector.broadcast %broadcast_in_dim3A_100 : vector<304x1xf32> to vector<304x2048xf32>
    %gt3A_102 = arith.cmpf ogt, %max3A_33, %gt3A_101 : vector<304x2048xf32>
    %jit3A_103 = arith.constant 0x7F800000 : f32
    %broadcast_in_dim3A_104 = vector.broadcast %jit3A_103 : f32 to vector<304x2048xf32>
    %select_n3A_105 = arith.select %gt3A_102, %max3A_33, %broadcast_in_dim3A_104 : vector<304x2048xi1>, vector<304x2048xf32>
    %reduce_min3A_106 = arith.constant dense<0x7F800000> : vector<304xf32>
    %reduce_min3A_107 = vector.multi_reduction <minimumf>, %select_n3A_105, %reduce_min3A_106 [1] : vector<304x2048xf32> to vector<304xf32>
    %broadcast_in_dim3A_108 = vector.shape_cast %reduce_min3A_107 : vector<304xf32> to vector<304x1xf32>
    %gt3A_109 = vector.broadcast %broadcast_in_dim3A_108 : vector<304x1xf32> to vector<304x2048xf32>
    %gt3A_110 = arith.cmpf ogt, %max3A_33, %gt3A_109 : vector<304x2048xf32>
    %jit3A_111 = arith.constant 0x7F800000 : f32
    %broadcast_in_dim3A_112 = vector.broadcast %jit3A_111 : f32 to vector<304x2048xf32>
    %select_n3A_113 = arith.select %gt3A_110, %max3A_33, %broadcast_in_dim3A_112 : vector<304x2048xi1>, vector<304x2048xf32>
    %reduce_min3A_114 = arith.constant dense<0x7F800000> : vector<304xf32>
    %reduce_min3A_115 = vector.multi_reduction <minimumf>, %select_n3A_113, %reduce_min3A_114 [1] : vector<304x2048xf32> to vector<304xf32>
    %broadcast_in_dim3A_116 = vector.shape_cast %reduce_min3A_115 : vector<304xf32> to vector<304x1xf32>
    %gt3A_117 = vector.broadcast %broadcast_in_dim3A_116 : vector<304x1xf32> to vector<304x2048xf32>
    %gt3A_118 = arith.cmpf ogt, %max3A_33, %gt3A_117 : vector<304x2048xf32>
    %jit3A_119 = arith.constant 0x7F800000 : f32
    %broadcast_in_dim3A_120 = vector.broadcast %jit3A_119 : f32 to vector<304x2048xf32>
    %select_n3A_121 = arith.select %gt3A_118, %max3A_33, %broadcast_in_dim3A_120 : vector<304x2048xi1>, vector<304x2048xf32>
    %reduce_min3A_122 = arith.constant dense<0x7F800000> : vector<304xf32>
    %reduce_min3A_123 = vector.multi_reduction <minimumf>, %select_n3A_121, %reduce_min3A_122 [1] : vector<304x2048xf32> to vector<304xf32>
    %broadcast_in_dim3A_124 = vector.shape_cast %reduce_min3A_123 : vector<304xf32> to vector<304x1xf32>
    %gt3A_125 = vector.broadcast %broadcast_in_dim3A_124 : vector<304x1xf32> to vector<304x2048xf32>
    %gt3A_126 = arith.cmpf ogt, %max3A_33, %gt3A_125 : vector<304x2048xf32>
    %jit3A_127 = arith.constant 0x7F800000 : f32
    %broadcast_in_dim3A_128 = vector.broadcast %jit3A_127 : f32 to vector<304x2048xf32>
    %select_n3A_129 = arith.select %gt3A_126, %max3A_33, %broadcast_in_dim3A_128 : vector<304x2048xi1>, vector<304x2048xf32>
    %reduce_min3A_130 = arith.constant dense<0x7F800000> : vector<304xf32>
    %reduce_min3A_131 = vector.multi_reduction <minimumf>, %select_n3A_129, %reduce_min3A_130 [1] : vector<304x2048xf32> to vector<304xf32>
    %broadcast_in_dim3A_132 = vector.shape_cast %reduce_min3A_131 : vector<304xf32> to vector<304x1xf32>
    %gt3A_133 = vector.broadcast %broadcast_in_dim3A_132 : vector<304x1xf32> to vector<304x2048xf32>
    %gt3A_134 = arith.cmpf ogt, %max3A_33, %gt3A_133 : vector<304x2048xf32>
    %jit3A_135 = arith.constant 0x7F800000 : f32
    %broadcast_in_dim3A_136 = vector.broadcast %jit3A_135 : f32 to vector<304x2048xf32>
    %select_n3A_137 = arith.select %gt3A_134, %max3A_33, %broadcast_in_dim3A_136 : vector<304x2048xi1>, vector<304x2048xf32>
    %reduce_min3A_138 = arith.constant dense<0x7F800000> : vector<304xf32>
    %reduce_min3A_139 = vector.multi_reduction <minimumf>, %select_n3A_137, %reduce_min3A_138 [1] : vector<304x2048xf32> to vector<304xf32>
    %broadcast_in_dim3A_140 = vector.shape_cast %reduce_min3A_139 : vector<304xf32> to vector<304x1xf32>
    %gt3A_141 = vector.broadcast %broadcast_in_dim3A_140 : vector<304x1xf32> to vector<304x2048xf32>
    %gt3A_142 = arith.cmpf ogt, %max3A_33, %gt3A_141 : vector<304x2048xf32>
    %jit3A_143 = arith.constant 0x7F800000 : f32
    %broadcast_in_dim3A_144 = vector.broadcast %jit3A_143 : f32 to vector<304x2048xf32>
    %select_n3A_145 = arith.select %gt3A_142, %max3A_33, %broadcast_in_dim3A_144 : vector<304x2048xi1>, vector<304x2048xf32>
    %reduce_min3A_146 = arith.constant dense<0x7F800000> : vector<304xf32>
    %reduce_min3A_147 = vector.multi_reduction <minimumf>, %select_n3A_145, %reduce_min3A_146 [1] : vector<304x2048xf32> to vector<304xf32>
    %broadcast_in_dim3A_148 = vector.shape_cast %reduce_min3A_147 : vector<304xf32> to vector<304x1xf32>
    %gt3A_149 = vector.broadcast %broadcast_in_dim3A_148 : vector<304x1xf32> to vector<304x2048xf32>
    %gt3A_150 = arith.cmpf ogt, %max3A_33, %gt3A_149 : vector<304x2048xf32>
    %jit3A_151 = arith.constant 0x7F800000 : f32
    %broadcast_in_dim3A_152 = vector.broadcast %jit3A_151 : f32 to vector<304x2048xf32>
    %select_n3A_153 = arith.select %gt3A_150, %max3A_33, %broadcast_in_dim3A_152 : vector<304x2048xi1>, vector<304x2048xf32>
    %reduce_min3A_154 = arith.constant dense<0x7F800000> : vector<304xf32>
    %reduce_min3A_155 = vector.multi_reduction <minimumf>, %select_n3A_153, %reduce_min3A_154 [1] : vector<304x2048xf32> to vector<304xf32>
    %broadcast_in_dim3A_156 = vector.shape_cast %reduce_min3A_155 : vector<304xf32> to vector<304x1xf32>
    %gt3A_157 = vector.broadcast %broadcast_in_dim3A_156 : vector<304x1xf32> to vector<304x2048xf32>
    %gt3A_158 = arith.cmpf ogt, %max3A_33, %gt3A_157 : vector<304x2048xf32>
    %jit3A_159 = arith.constant 0x7F800000 : f32
    %broadcast_in_dim3A_160 = vector.broadcast %jit3A_159 : f32 to vector<304x2048xf32>
    %select_n3A_161 = arith.select %gt3A_158, %max3A_33, %broadcast_in_dim3A_160 : vector<304x2048xi1>, vector<304x2048xf32>
    %reduce_min3A_162 = arith.constant dense<0x7F800000> : vector<304xf32>
    %reduce_min3A_163 = vector.multi_reduction <minimumf>, %select_n3A_161, %reduce_min3A_162 [1] : vector<304x2048xf32> to vector<304xf32>
    %broadcast_in_dim3A_164 = vector.shape_cast %reduce_min3A_163 : vector<304xf32> to vector<304x1xf32>
    %gt3A_165 = vector.broadcast %broadcast_in_dim3A_164 : vector<304x1xf32> to vector<304x2048xf32>
    %gt3A_166 = arith.cmpf ogt, %max3A_33, %gt3A_165 : vector<304x2048xf32>
    %jit3A_167 = arith.constant 0x7F800000 : f32
    %broadcast_in_dim3A_168 = vector.broadcast %jit3A_167 : f32 to vector<304x2048xf32>
    %select_n3A_169 = arith.select %gt3A_166, %max3A_33, %broadcast_in_dim3A_168 : vector<304x2048xi1>, vector<304x2048xf32>
    %reduce_min3A_170 = arith.constant dense<0x7F800000> : vector<304xf32>
    %reduce_min3A_171 = vector.multi_reduction <minimumf>, %select_n3A_169, %reduce_min3A_170 [1] : vector<304x2048xf32> to vector<304xf32>
    %broadcast_in_dim3A_172 = vector.shape_cast %reduce_min3A_171 : vector<304xf32> to vector<304x1xf32>
    %sub3A_173 = arith.subf %max3A_33, %max3A_53 : vector<304x2048xf32>
    %mul3A_174 = arith.mulf %sub3A_173, %sub3A_173 : vector<304x2048xf32>
    %le3A = vector.broadcast %broadcast_in_dim3A_172 : vector<304x1xf32> to vector<304x2048xf32>
    %le3A_175 = arith.cmpf ole, %max3A_33, %le3A : vector<304x2048xf32>
    %eq3A = vector.broadcast %broadcast_in_dim3A_172 : vector<304x1xf32> to vector<304x2048xf32>
    %eq3A_176 = arith.cmpf oeq, %max3A_33, %eq3A : vector<304x2048xf32>
    %jit3A_177 = arith.constant 0.000000e+00 : f32
    %broadcast_in_dim3A_178 = vector.broadcast %jit3A_177 : f32 to vector<304x2048xf32>
    %select_n3A_179 = arith.select %le3A_175, %mul3A_174, %broadcast_in_dim3A_178 : vector<304x2048xi1>, vector<304x2048xf32>
    %reduce_sum3A_180 = arith.constant dense<0.000000e+00> : vector<304xf32>
    %reduce_sum3A_181 = vector.multi_reduction <add>, %select_n3A_179, %reduce_sum3A_180 [1] : vector<304x2048xf32> to vector<304xf32>
    %broadcast_in_dim3A_182 = vector.shape_cast %reduce_sum3A_181 : vector<304xf32> to vector<304x1xf32>
    %jit3A_183 = arith.constant 0.000000e+00 : f32
    %broadcast_in_dim3A_184 = vector.broadcast %jit3A_183 : f32 to vector<304x2048xf32>
    %select_n3A_185 = arith.select %eq3A_176, %mul3A_174, %broadcast_in_dim3A_184 : vector<304x2048xi1>, vector<304x2048xf32>
    %reduce_sum3A_186 = arith.constant dense<0.000000e+00> : vector<304xf32>
    %reduce_sum3A_187 = vector.multi_reduction <add>, %select_n3A_185, %reduce_sum3A_186 [1] : vector<304x2048xf32> to vector<304xf32>
    %broadcast_in_dim3A_188 = vector.shape_cast %reduce_sum3A_187 : vector<304xf32> to vector<304x1xf32>
    %jit3A_189 = arith.constant 1.000000e+00 : f32
    %jit3A_190 = arith.constant 0.000000e+00 : f32
    %broadcast_in_dim3A_191 = vector.broadcast %jit3A_189 : f32 to vector<304x2048xf32>
    %broadcast_in_dim3A_192 = vector.broadcast %jit3A_190 : f32 to vector<304x2048xf32>
    %select_n3A_193 = arith.select %le3A_175, %broadcast_in_dim3A_191, %broadcast_in_dim3A_192 : vector<304x2048xi1>, vector<304x2048xf32>
    %reduce_sum3A_194 = arith.constant dense<0.000000e+00> : vector<304xf32>
    %reduce_sum3A_195 = vector.multi_reduction <add>, %select_n3A_193, %reduce_sum3A_194 [1] : vector<304x2048xf32> to vector<304xf32>
    %broadcast_in_dim3A_196 = vector.shape_cast %reduce_sum3A_195 : vector<304xf32> to vector<304x1xf32>
    %jit3A_197 = arith.constant 1.000000e+00 : f32
    %jit3A_198 = arith.constant 0.000000e+00 : f32
    %broadcast_in_dim3A_199 = vector.broadcast %jit3A_197 : f32 to vector<304x2048xf32>
    %broadcast_in_dim3A_200 = vector.broadcast %jit3A_198 : f32 to vector<304x2048xf32>
    %select_n3A_201 = arith.select %eq3A_176, %broadcast_in_dim3A_199, %broadcast_in_dim3A_200 : vector<304x2048xi1>, vector<304x2048xf32>
    %reduce_sum3A_202 = arith.constant dense<0.000000e+00> : vector<304xf32>
    %reduce_sum3A_203 = vector.multi_reduction <add>, %select_n3A_201, %reduce_sum3A_202 [1] : vector<304x2048xf32> to vector<304xf32>
    %broadcast_in_dim3A_204 = vector.shape_cast %reduce_sum3A_203 : vector<304xf32> to vector<304x1xf32>
    %sub3A_205 = arith.subf %broadcast_in_dim3A_196, %broadcast_in_dim3A_204 : vector<304x1xf32>
    %sub3A_206 = arith.constant 1.600000e+01 : f32
    %sub3A_207 = vector.broadcast %sub3A_206 : f32 to vector<304x1xf32>
    %sub3A_208 = arith.subf %sub3A_207, %sub3A_205 : vector<304x1xf32>
    %max3A_209 = arith.constant 1.000000e+00 : f32
    %max3A_210 = vector.broadcast %max3A_209 : f32 to vector<304x1xf32>
    %max3A_211 = arith.maximumf %broadcast_in_dim3A_204, %max3A_210 : vector<304x1xf32>
    %div3A = arith.divf %sub3A_208, %max3A_211 : vector<304x1xf32>
    %jit3A_212 = arith.constant 0.000000e+00 : f32
    %jit3A_213 = arith.constant 1.000000e+00 : f32
    %max3A_214 = vector.broadcast %jit3A_212 : f32 to vector<304x1xf32>
    %max3A_215 = arith.maximumf %max3A_214, %div3A : vector<304x1xf32>
    %min3A = vector.broadcast %jit3A_213 : f32 to vector<304x1xf32>
    %min3A_216 = arith.minimumf %min3A, %max3A_215 : vector<304x1xf32>
    %sub3A_217 = arith.constant 1.000000e+00 : f32
    %sub3A_218 = vector.broadcast %sub3A_217 : f32 to vector<304x1xf32>
    %sub3A_219 = arith.subf %sub3A_218, %min3A_216 : vector<304x1xf32>
    %mul3A_220 = arith.mulf %sub3A_219, %broadcast_in_dim3A_188 : vector<304x1xf32>
    %sub3A_221 = arith.subf %broadcast_in_dim3A_182, %mul3A_220 : vector<304x1xf32>
    %reduce_sum3A_222 = vector.shape_cast %sub3A_221 : vector<304x1xf32> to vector<1x304x1xf32>
    %reduce_sum3A_223 = arith.constant dense<0.000000e+00> : vector<1xf32>
    %reduce_sum3A_224 = vector.multi_reduction <add>, %reduce_sum3A_222, %reduce_sum3A_223 [1, 2] : vector<1x304x1xf32> to vector<1xf32>
    %reduce_sum3A_225 = vector.shape_cast %reduce_sum3A_224 : vector<1xf32> to vector<1x1x1xf32>
    %reduce_sum3A_226 = vector.extract %reduce_sum3A_225[0, 0, 0] : f32 from vector<1x1x1xf32>
    %reshape3A = vector.broadcast %reduce_sum3A_226 : f32 to vector<1x1x1x1xf32>
    %swap3A = arith.constant 0 : index
    %swap3A_227 = arith.constant 0 : index
    %swap3A_228 = arith.constant 0 : index
    %swap3A_229 = arith.constant 0 : index
    %swap3A_230 = vector.load %arg6[%swap3A, %swap3A_227, %swap3A_228, %swap3A_229] : memref<1x1x1x1xf32, #tpu.memory_space<vmem>>, vector<1x1x1x1xf32>
    tpu.vector_store %arg6[%swap3A, %swap3A_227, %swap3A_228, %swap3A_229], %reshape3A {strides = array<i32>} : memref<1x1x1x1xf32, #tpu.memory_space<vmem>>, vector<1x1x1x1xf32>,
    return
  }
  func.func @transform_0(%arg0: i32, %arg1: i32) -> (i32, i32, i32) {
    %c0_i32 = arith.constant 0 : i32
    %c0_i32_0 = arith.constant 0 : i32
    %c0_i32_1 = arith.constant 0 : i32
    return %arg0, %c0_i32, %c0_i32_0 : i32, i32, i32
  }
  func.func @transform_1(%arg0: i32, %arg1: i32) -> (i32, i32, i32) {
    %c0_i32 = arith.constant 0 : i32
    %c0_i32_0 = arith.constant 0 : i32
    %c0_i32_1 = arith.constant 0 : i32
    return %arg0, %c0_i32, %c0_i32_0 : i32, i32, i32
  }
  func.func @transform_2(%arg0: i32, %arg1: i32) -> (i32, i32, i32) {
    %c0_i32 = arith.constant 0 : i32
    %c0_i32_0 = arith.constant 0 : i32
    %c0_i32_1 = arith.constant 0 : i32
    return %arg0, %c0_i32, %c0_i32_0 : i32, i32, i32
  }
  func.func @transform_3(%arg0: i32, %arg1: i32) -> (i32, i32, i32) {
    %c0_i32 = arith.constant 0 : i32
    %c0_i32_0 = arith.constant 0 : i32
    %c0_i32_1 = arith.constant 0 : i32
    return %arg0, %c0_i32, %c0_i32_0 : i32, i32, i32
  }
  func.func @transform_4(%arg0: i32, %arg1: i32) -> (i32, i32, i32, i32) {
    %c0_i32 = arith.constant 0 : i32
    %c0_i32_0 = arith.constant 0 : i32
    %c0_i32_1 = arith.constant 0 : i32
    return %arg0, %arg1, %c0_i32, %c0_i32_0 : i32, i32, i32, i32
  }
}

</mosaic_0001>

<sc_bundles>
// kernel: kernel.4.cloned.1.call-start
scs
__scs_entry_jumppad:
0x0: {  	(pc) =	sbr.rel $0x88, $3  }
0x1: {  	(tag) =	ssettag $0x0;
	lr =	simm.s32 $0x1  }
0x2: {  	[smem:$0x3F9F] =	sst lr;
	_ =	strace $0xD0000000  }
0x3: {  	_ = 	snop  }
0x4: {  	_ = 	snop  }
0x5: {  	_ = 	snop  }
0x6: {  	_ = 	snop  }
0x7: {  	_ = 	snop  }
__scs_overlays_trampoline_lowered:
0x8: {  	[smem:$0x3FAE] =	sst s0  }
0x9: {  	[smem:$0x3FAF] =	sst s1  }
0xa: {  	[smem:$0x3FB0] =	sst s2  }
0xb: {  	[smem:$0x3FB1] =	sst s3  }
0xc: {  	[smem:$0x3FB2] =	sst s4  }
0xd: {  	[smem:$0x3FB3] =	sst s5  }
0xe: {  	[smem:$0x3FB4] =	sst s6  }
0xf: {  	[smem:$0x3FB5] =	sst s7  }
0x10: {  	[smem:$0x3FB6] =	sst s8  }
0x11: {  	[smem:$0x3FB7] =	sst s9;
	s0 =	simm.s32 @!p0 $0x0  }
0x12: {  	s1 =	sld [smem:$0x3F9D];
	s0 =	simm.s32 @p0 $0x1  }
0x13: {  	[smem:$0x3FB8] =	sst s0;
	s0 =	simm.s32 @!p1 $0x0  }
0x14: {  	s2 =	sld [smem:$0x3F9C];
	s0 =	simm.s32 @p1 $0x1  }
0x15: {  	[smem:$0x3FB9] =	sst s0;
	s0 =	simm.s32 @!p2 $0x0  }
0x16: {  	s3 =	sld [smem:$0x3FDB];
	s0 =	simm.s32 @p2 $0x1  }
0x17: {  	s4 =	simm.s32 $0x1BF5;
	[smem:$0x3FBB] =	sst s0  }
0x18: {  	s0 =	sld [smem:$0x3F9E];
	_ =	swait.ge [sflag:s4], $0x0  }
0x19: {  	s7 =	sld [smem:$0x3F9F]  }
0x1a: {  	s8 =	sadd.s32 $0xFFFFE003, lr  }
0x1b: {  	s9 =	sadd.s32 $0xFFFFFEF7, lr;
	s5 =	simm.s32 $0xFFFFFFFF;
	p2 =	slt.u32 s8, $0xFFFFF086  }
0x1c: {  	p1 =	slt.u32 s9, $0xF7A;
	s5 =	simm.s32 @!p2 $0x0  }
0x1d: {  	s5 =	simm.s32 @p1 $0x1;
	p0 =	seq.s32 s7, s2  }
0x1e: {  	s7 =	smul.u32 @!p0 $0xF7A, s2;
	p2 =	seq.s32 @!p0 s5, $0x0  }
0x1f: {  	s9 =	smul.u32 $0xF7A, s1;
	s8 =	simm.s32 @!p0 $0x1BF5;
	p2 =	por !p2, p0  }
0x20: {  	[sflag:s8] =	ssyncset.s32 @!p0 $0xFFFFF086;
	s6 =	sadd.s32 @!p0 s3, s7;
	s7 =	simm.s32 @!p0 $0x108  }
0x21: {  	s3 =	sadd.s32 s3, s9;
	s6 =	sadd.s32 @!p0 $0x88, s6;
	s7 =	simm.s32 @p2 $0x1082  }
0x22: {  	[simem:s7], [sflag:s8] =	dma.local @!p0 [hbm:s6], $0xF7A  }
0x23: {  	s9 =	sor.u32 $0xD0000000, s2;
	s6 =	simm.s32 $0x108;
	_ =	swait.ge @!p0 [sflag:s8], $0x0  }
0x24: {  	s3 =	sadd.s32 $0x88, s3;
	s6 =	simm.s32 @!p1 $0x1082;
	[sflag:s4] =	ssyncset.s32 $0xFFFFF086  }
0x25: {  	[simem:s6], [sflag:s4] =	dma.local [hbm:s3], $0xF7A  }
0x26: {  	[smem:$0x3F9F] =	sst s1;
	(tag) =	ssettag s2;
	_ =	strace s9  }
0x27: {  	s1 =	sld [smem:$0x3FAF]  }
0x28: {  	s2 =	sld [smem:$0x3FB0]  }
0x29: {  	s4 =	sld [smem:$0x3FB2]  }
0x2a: {  	p0 =	seq.s32 s5, $0x0;
	s5 =	sld [smem:$0x3FB3]  }
0x2b: {  	s6 =	sld [smem:$0x3FB4]  }
0x2c: {  	s7 =	sld [smem:$0x3FB5]  }
0x2d: {  	s3 =	simm.s32 $0x108;
	s8 =	sld [smem:$0x3FB6]  }
0x2e: {  	s3 =	simm.s32 @!p0 $0x1082;
	s9 =	sld [smem:$0x3FB7]  }
0x2f: {  	lr =	sadd.s32 s0, s3;
	s0 =	sld [smem:$0x3FAE]  }
0x30: {  	s3 =	sld [smem:$0x3FB1]  }
0x31: {  	[smem:$0x3FBA] =	sst s10  }
0x32: {  	s10 =	sld [smem:$0x3FB8];
	_ =	sdelay $0x3  }
0x33: {  	p0 =	seq.s32 s10, $0x1;
	s10 =	sld [smem:$0x3FBA];
	_ =	sdelay $0x3  }
0x34: {  	[smem:$0x3FBA] =	sst s10  }
0x35: {  	s10 =	sld [smem:$0x3FB9];
	_ =	sdelay $0x3  }
0x36: {  	p1 =	seq.s32 s10, $0x1;
	s10 =	sld [smem:$0x3FBA];
	_ =	sdelay $0x3  }
0x37: {  	[smem:$0x3FBA] =	sst s10  }
0x38: {  	s10 =	sld [smem:$0x3FBB]  }
0x39: {  	_ = 	snop;
	(pc) =	sbr.ind lr, $3  }
0x3a: {  	_ = 	snop  }
0x3b: {  	_ = 	snop  }
0x3c: {  	p2 =	seq.s32 s10, $0x1;
	s10 =	sld [smem:$0x3FBA]  }
0x3d: {  	_ =	shalt  }
0x3e: {  	_ =	shalt  }
0x3f: {  	_ =	shalt  }
0x40: {  	_ =	shalt  }
0x41: {  	_ =	shalt  }
0x42: {  	_ =	shalt  }
0x43: {  	_ =	shalt  }
0x44: {  	_ =	shalt  }
0x45: {  	_ =	shalt  }
0x46: {  	_ =	shalt  }
0x47: {  	_ =	shalt  }
0x48: {  	_ =	shalt  }
0x49: {  	_ =	shalt  }
0x4a: {  	_ =	shalt  }
0x4b: {  	_ =	shalt  }
0x4c: {  	_ =	shalt  }
0x4d: {  	_ =	shalt  }
0x4e: {  	_ =	shalt  }
0x4f: {  	_ =	shalt  }
0x50: {  	_ =	shalt  }
0x51: {  	_ =	shalt  }
0x52: {  	_ =	shalt  }
0x53: {  	_ =	shalt  }
0x54: {  	_ =	shalt  }
0x55: {  	_ =	shalt  }
0x56: {  	_ =	shalt  }
0x57: {  	_ =	shalt  }
0x58: {  	_ =	shalt  }
0x59: {  	_ =	shalt  }
0x5a: {  	_ =	shalt  }
0x5b: {  	_ =	shalt  }
0x5c: {  	_ =	shalt  }
0x5d: {  	_ =	shalt  }
0x5e: {  	_ =	shalt  }
0x5f: {  	_ =	shalt  }
0x60: {  	_ =	shalt  }
0x61: {  	_ =	shalt  }
0x62: {  	_ =	shalt  }
0x63: {  	_ =	shalt  }
0x64: {  	_ =	shalt  }
0x65: {  	_ =	shalt  }
0x66: {  	_ =	shalt  }
0x67: {  	_ =	shalt  }
0x68: {  	_ =	shalt  }
0x69: {  	_ =	shalt  }
0x6a: {  	_ =	shalt  }
0x6b: {  	_ =	shalt  }
0x6c: {  	_ =	shalt  }
0x6d: {  	_ =	shalt  }
0x6e: {  	_ =	shalt  }
0x6f: {  	_ =	shalt  }
0x70: {  	_ =	shalt  }
0x71: {  	_ =	shalt  }
0x72: {  	_ =	shalt  }
0x73: {  	_ =	shalt  }
0x74: {  	_ =	shalt  }
0x75: {  	_ =	shalt  }
0x76: {  	_ =	shalt  }
0x77: {  	_ =	shalt  }
0x78: {  	_ =	shalt  }
0x79: {  	_ =	shalt  }
0x7a: {  	_ =	shalt  }
0x7b: {  	_ =	shalt  }
0x7c: {  	_ =	shalt  }
0x7d: {  	_ =	shalt  }
0x7e: {  	_ =	shalt  }
0x7f: {  	_ =	shalt  }
0x80: {  	_ =	shalt  }
0x81: {  	_ =	shalt  }
0x82: {  	_ =	shalt  }
0x83: {  	_ =	shalt  }
0x84: {  	_ =	shalt  }
0x85: {  	_ =	shalt  }
0x86: {  	_ =	shalt  }
0x87: {  	_ =	shalt  }
.Lfunc_end0:
.L_simem_size_0:
called_computation_lowered:
.L_overlay_start_0:
0x88: {  	s2 =	sld [smem:$0x3FD9]  }
0x89: {  	s3 =	sld [smem:$0x3FFE];
	_ =	sdelay $0x1  }
0x8a: {  	s1 =	srdreg.scid  }
0x8b: {  	s0 =	sand.u32 $0x1, s1  }
0x8c: {  	s16 =	sshll.u32 s0, $0xA;
	s2 =	sadd.s32 s3, s2  }
0x8d: {  	s2 =	sadd.s32 s2, s16  }
0x8e: {  	[smem:$0x3FC6] =	sst s2  }
0x8f: {  	_ = 	snop  }
0x90: {  	(tm) =	ssettm $0x1  }
0x91: {  	s17 =	sld [smem:$0x3FFB];
	_ =	sdelay $0x3  }
0x92: {  	_ =	strace s17  }
0x93: {  	s2 =	sld [smem:$0x3FFC];
	_ =	sdelay $0x3  }
0x94: {  	_ =	strace s2  }
0x95: {  	s2 =	sld [smem:$0x3FFD];
	_ =	sdelay $0x3  }
0x96: {  	_ =	strace s2  }
0x97: {  	_ =	strace $0x8FFFFFFF  }
0x98: {  	s18 =	sld [smem:$0x3FDB];
	_ =	sdelay $0x1  }
0x99: {  	s19 =	simm.s32 $_scs_section_size  }
0x9a: {  	s4 =	simm.s32 $_size__tile_overlayer_lowered;
	s5 =	simm.s32 $_tile_overlayer_lowered  }
0x9b: {  	s22 =	simm.s32 $0x1BFF;
	s21 =	sshll.u32 s5, $0x1;
	s2 =	sadd.s32 s19, s18  }
0x9c: {  	s6 =	simm.s32 $0x0;
	s20 =	sshll.u32 s4, $0x1;
	s4 =	sadd.s32 s21, s2  }
0x9d: {  	[timem:s6], [sflag:s22] =	dma.local [hbm:s4], s20  }
0x9e: {  	_ =	swait.ge [sflag:s22], s20  }
0x9f: {  	s3 =	ssub.s32 $0x0, s20;
	[sflag:s22] =	ssyncset.done $0x0  }
0xa0: {  	[sflag:s22] =	ssyncadd.s32 s3;
	_ =	sdelay $0x1  }
0xa1: {  	s23 =	simm.s32 $0x1B8B  }
0xa2: {  	_ =	swait.ge [sflag:s23], $0x1  }
0xa3: {  	[sflag:s23] =	ssyncset.done $0x0  }
0xa4: {  	s25 =	simm.s32 $0x1B8E;
	s24 =	sld [smem:$0x3FFE];
	[sflag:s23] =	ssyncadd.s32 $0xFFFFFFFF  }
0xa5: {  	s26 =	simm.s32 $execute0_lowered;
	[smem:$0x3FD2] =	sst s25  }
0xa6: {  	s4 =	sshll.u32 s26, $0x1;
	_ =	strace $0x80000046;
	[dreg:$0x1] =	wrdreg $0xFFFFFFFF  }
0xa7: {  	s28 =	simm.s32 $_size_execute0_lowered;
	s2 =	sadd.s32 s2, s4;
	[dreg:$0x0] =	wrdreg $0x0  }
0xa8: {  	s4 =	sshll.u32 s28, $0x1;
	[dreg:$0x2] =	wrdreg s2  }
0xa9: {  	[dreg:$0x3] =	wrdreg s4  }
0xaa: {  	[dreg:$0x4] =	wrdreg $0xC0  }
0xab: {  	_ =	task [dreg:s6], $0x5FFFF  }
0xac: {  	[dreg:$0x1] =	wrdreg $0xFFFFFFFF  }
0xad: {  	[dreg:$0x0] =	wrdreg $0x60  }
0xae: {  	[dreg:$0x2] =	wrdreg s24  }
0xaf: {  	[dreg:$0x3] =	wrdreg $0x9  }
0xb0: {  	_ =	task.clear_ibuf [dreg:s6], $0x4FFFF;
	_ =	strace $0x90000046  }
0xb1: {  	s29 =	simm.s32 $0x9;
	_ =	strace $0x80000048  }
0xb2: {  	_ =	swait.ge [sflag:s29], $0x1  }
0xb3: {  	[sflag:s29] =	ssyncadd.s32 $0xFFFFFFFF  }
0xb4: {  	_ =	strace $0x90000048  }
0xb5: {  	_ =	sfence  }
0xb6: {  	s30 =	sld [smem:$0x0];
	_ =	sdelay $0x2  }
0xb7: {  	s31 =	sshll.u32 s1, $0xD;
	s1 =	sshrl.u32 s1, $0x2  }
0xb8: {  	s3 =	sand.u32 $0x4000, s31;
	s1 =	sadd.s32 s1, s30  }
0xb9: {  	s0 =	sor.u32 s3, s0;
	s1 =	sshll.u32 s1, $0x11  }
0xba: {  	s0 =	sor.u32 s1, s0  }
0xbb: {  	s0 =	sadd.s32 $0x8F2B, s0  }
0xbc: {  	[sflag:s0] =	ssyncadd.remote.s32 $0x1  }
0xbd: {  	_ =	sfence.sel $0xFFFF  }
0xbe: {  	[dreg:$0x0] =	wrdreg $0xFFFFFFFF;
	(pc) =	sbr.abs _section_cstart, $3  }
0xbf: {  	[dreg:$0x1] =	wrdreg $0xFFFFFFFF  }
0xc0: {  	_ =	task.clear_ibuf [dreg:s6], $0x2FFFF;
	_ =	strace $0x9FFFFFFF  }
0xc1: {  	(tm) =	ssettm $0x7FFFFFFF  }
tec
execute0_lowered:
.L_overlay_start_1:
0x0: {  	(tag) =	ssettag $0x1  }
0x1: {  	s3 =	rddreg [dreg:$0x0]  }
0x2: {  	s0 =	rddreg [dreg:$0x1]  }
0x3: {  	s1 =	stileid.u32;
	s4 =	srdreg.scid;
	s2 =	simm.s32 $0x0  }
0x4: {  	s10 =	simm.s32 $0x4800;
	s11 =	simm.s32 $0x4900;
	s12 =	simm.s32 $0x4A00  }
0x5: {  	s13 =	simm.s32 $0x0;
	s4 =	sand.u32 $0x1, s4;
	s5 =	sshll.u32 s1, $0x1  }
0x6: {  	[smem:$0x7FF] =	sst s2;
	s6 =	sshll.u32 s1, $0x8;
	s5 =	sor.u32 s4, s5  }
0x7: {  	_ =	strace $0x80000047;
	s6 =	sand.u32 $0xC00, s6;
	s4 =	ssub.s32 $0x2, s4  }
.Ltmp0:
0x8: {  	s7 =	sand.u32 $0x7, s5;
	s5 =	sshll.u32 s5, $0x4;
	(pc) =	sbr.rel .LBB2_1-.Ltmp0, $4  }
0x9: {  	s6 =	sadd.s32 s6, s3;
	s31 =	sshrl.u32 s4, $0x1;
	s7 =	smul.u32 $0x68, s7  }
0xa: {  	s8 =	sadd.s32 s5, s3;
	s9 =	ssub.s32 s4, s31;
	s4 =	sadd.s32 $0x1200, s6  }
0xb: {  	s5 =	sadd.s32 $0x200, s6;
	s6 =	sadd.s32 $0x2200, s8;
	s8 =	simm.s32 $0x1  }
0xc: {  	v0 =	vlaneseq.u32;
	v1 =	vimm.f32 $+Inf;
	v2 =	vimm.s32 $0x1;
	s3 =	sadd.s32 $0x4C0, s7;
	s7 =	smax.u32 s9, $0x1;
	s9 =	simm.s32 $0x2000  }
.LBB2_15:
0xd: {  	s13 =	sadd.s32 $0x1, s13  }
0xe: {  	p0 =	sne.s32 s13, s7  }
.Ltmp1:
0xf: {  	[tilespmem:$0x4A00] =	vst v3;
	(pc) =	sbr.rel @!p0 .LBB2_16-.Ltmp1, $4  }
0x10: {  	[hbm4b:s6+s2] =	stream.linear.scatter [tilespmem:s12], [sflag:$0x1], $0x80, $0x38;
	[tilespmem:$0x4A80] =	vst v63  }
0x11: {  	_ =	swait.ge [sflag:s8], $0x80  }
0x12: {  	[sflag:s8] =	ssyncset.done $0x0  }
0x13: {  	[sflag:s8] =	ssyncadd.s32 $0xFFFFFF80  }
.LBB2_1:
0x14: {  	[tilespmem:s2], [sflag:$0x1] =	stream.linear.gather [hbm4b:s4+s2], $0x2000, $0x38;
	[tilespmem:$0x4A80] =	vst v63  }
0x15: {  	_ =	swait.ge [sflag:s8], $0x2000  }
0x16: {  	[sflag:s8] =	ssyncset.done $0x0  }
0x17: {  	[sflag:s8] =	ssyncadd.s32 $0xFFFFE000  }
0x18: {  	[tilespmem:s9], [sflag:$0x1] =	stream.linear.gather [hbm4b:s5+s2], $0x2000, $0x38;
	[tilespmem:$0x4A80] =	vst v63  }
0x19: {  	_ =	swait.ge [sflag:s8], $0x2000  }
0x1a: {  	[sflag:s8] =	ssyncset.done $0x0  }
0x1b: {  	[sflag:s8] =	ssyncadd.s32 $0xFFFFE000  }
0x1c: {  	[tilespmem:$0x4900] =	vst v0  }
0x1d: {  	[tilespmem:$0x4910] =	vst v0  }
0x1e: {  	[tilespmem:$0x4920] =	vst v0  }
0x1f: {  	[tilespmem:$0x4930] =	vst v0  }
0x20: {  	[tilespmem:$0x4940] =	vst v0  }
0x21: {  	[tilespmem:$0x4950] =	vst v0  }
0x22: {  	[tilespmem:$0x4960] =	vst v0  }
0x23: {  	[tilespmem:$0x4970] =	vst v0  }
0x24: {  	[tilespmem:$0x4980] =	vst v0  }
0x25: {  	[tilespmem:$0x4990] =	vst v0  }
0x26: {  	[tilespmem:$0x49A0] =	vst v0  }
0x27: {  	[tilespmem:$0x49B0] =	vst v0  }
.Ltmp2:
0x28: {  	[tilespmem:$0x49C0] =	vst v0;
	(pc) =	sbr.rel .LBB2_2-.Ltmp2, $4  }
0x29: {  	[tilespmem:$0x49D0] =	vst v0  }
0x2a: {  	[tilespmem:$0x49E0] =	vst v0  }
0x2b: {  	v3 =	vimm.f32 $0.0e+00;
	[tilespmem:$0x49F0] =	vst v0  }
0x2c: {  	s14 =	simm.s32 $0x0;
	[tilespmem:$0x4A00] =	vst v3  }
.LBB2_8:
0x2d: {  	_ = 	snop  }
.LBB2_13:
0x2e: {  	v9 =	vadd.s32 @p0 $0xF, v9;
	v12, v13, _ =	vpop @p0 (xrf1)  }
0x2f: {  	v12 =	vperm.xlane @p0 v12, v9;
	v14, v15, _ =	vpop @p1 (xrf1)  }
0x30: {  	v9 =	vperm.xlane @p0 v13, v9;
	v13 =	vpsel p1, v14, v7  }
0x31: {  	v14 =	vpsel p1, v15, v8;
	vm0 =	vle.f32 @p0 v13, v12  }
0x32: {  	(xrf1) =	vsort.ascd.msk.f32 $0xffff, v10, v11;
	v10 =	vsel @p0 vm0, v13, v12;
	v9 =	vsel @p0 vm0, v14, v9  }
0x33: {  	(xrf1) =	vsort.ascd.msk.f32 @p0 $0xffff, v10, v9;
	_ =	sdelay $0xa  }
0x34: {  	v9 =	vmul.u32 $0xFFFFFFFF, v0;
	_ =	sdelay $0x1  }
0x35: {  	v9 =	vadd.s32 $0xF, v9;
	v10, v11, _ =	vpop (xrf1)  }
0x36: {  	v10 =	vperm.xlane v10, v9;
	v12, v13, _ =	vpop @p0 (xrf1)  }
0x37: {  	v9 =	vperm.xlane v11, v9;
	v7 =	vpsel p0, v12, v7  }
0x38: {  	v8 =	vpsel p0, v13, v8;
	vm15 =	vle.f32 v7, v10  }
0x39: {  	v7 =	vsel vm15, v7, v10;
	v8 =	vsel vm15, v8, v9  }
0x3a: {  	(xrf1) =	vsort.ascd.msk.f32 $0xffff, v7, v8;
	_ =	sdelay $0xd  }
0x3b: {  	v7, v8, _ =	vpop (xrf1)  }
.LBB2_14:
0x3c: {  	v9 =	vshll.u32 v8, $0x2  }
0x3d: {  	v63 =	vand.u32 $0x7F, v8;
	v9 =	vand.u32 $0xFFFFFE00, v9  }
0x3e: {  	v8 =	vor.u32 v63, v9  }
0x3f: {  	v9 =	vor.u32 $0x80, v8;
	_ =	sdelay $0x1  }
0x40: {  	v6 =	vld.idx.msk [tilespmem:v6+s9+$0x0], $0xffff;
	v10 =	vor.u32 $0x100, v8  }
0x41: {  	v5 =	vld.idx.msk [tilespmem:v5+s9+$0x0], $0xffff  }
0x42: {  	v8 =	vld.idx.msk [tilespmem:v8+s9+$0x0], $0xffff  }
0x43: {  	v9 =	vld.idx.msk [tilespmem:v9+s9+$0x0], $0xffff  }
0x44: {  	v4 =	vld.idx.msk [tilespmem:v4+s9+$0x0], $0xffff  }
0x45: {  	v10 =	vld.idx.msk [tilespmem:v10+s9+$0x0], $0xffff;
	_ =	sdelay $0x2  }
0x46: {  	v6 =	vsub.f32 v8, v6;
	v5 =	vsub.f32 v9, v5;
	_ =	sdelay $0x1  }
0x47: {  	v4 =	vsub.f32 v10, v4;
	v6 =	vmul.f32 v6, v6;
	v5 =	vmul.f32 v5, v5;
	_ =	sdelay $0x1  }
0x48: {  	v4 =	vmul.f32 v4, v4;
	v5 =	vadd.f32 v5, v6;
	_ =	sdelay $0x1  }
0x49: {  	s14 =	sadd.s32 $0x1, s14;
	v4 =	vadd.f32 v4, v5  }
0x4a: {  	p0 =	sne.s32 s14, $0x68  }
.Ltmp3:
0x4b: {  	v4 =	vsub.f32 v7, v4;
	(pc) =	sbr.rel @!p0 .LBB2_15-.Ltmp3, $3  }
0x4c: {  	_ = 	snop  }
0x4d: {  	v4 =	vmul.f32 v4, v4;
	_ =	sdelay $0x1  }
0x4e: {  	v3 =	vadd.f32 v4, v3  }
.LBB2_2:
0x4f: {  	s15 =	sadd.s32 s14, s3  }
0x50: {  	v4 =	vmov s15;
	s15 =	simm.s32 $0x200  }
0x51: {  	v5 =	vshll.u32 v4, $0x2;
	v10 =	vld [tilespmem:s15+$0xE0]  }
0x52: {  	v4 =	vand.u32 $0x7F, v4;
	v11 =	vld [tilespmem:s15+$0xC0];
	v5 =	vand.u32 $0x7FFFFE00, v5  }
0x53: {  	v12 =	vld [tilespmem:s15+$0x80];
	v6 =	vor.u32 v4, v5  }
0x54: {  	v13 =	vld [tilespmem:s15+$0x0]  }
0x55: {  	v14 =	vld [tilespmem:s15+$0xFFFFFEF0]  }
0x56: {  	v15 =	vld [tilespmem:s15+$0xFFFFFE70];
	v5 =	vor.u32 $0x80, v6  }
0x57: {  	v17 =	vld [tilespmem:s15+$0xFFFFFE60]  }
0x58: {  	v9 =	vld.idx.msk [tilespmem:v6+s2+$0x0], $0xffff  }
0x59: {  	v21 =	vld [tilespmem:s15+$0xFFFFFE40]  }
0x5a: {  	v23 =	vld [tilespmem:s15+$0xFFFFFE30]  }
0x5b: {  	v7 =	vld.idx.msk [tilespmem:v5+s2+$0x0], $0xffff  }
0x5c: {  	v16 =	vld [tilespmem:s15+$0xFFFFFEE0]  }
0x5d: {  	v18 =	vld [tilespmem:s15+$0xFFFFFED0];
	v13 =	vsub.f32 v13, v9  }
0x5e: {  	v20 =	vld [tilespmem:s15+$0xFFFFFEC0];
	v15 =	vsub.f32 v15, v9;
	v17 =	vsub.f32 v17, v9  }
0x5f: {  	v19 =	vld [tilespmem:s15+$0xFFFFFE50];
	v4 =	vor.u32 $0x100, v6;
	v21 =	vsub.f32 v21, v9;
	v23 =	vsub.f32 v23, v9  }
0x60: {  	v22 =	vld [tilespmem:s15+$0xFFFFFEB0];
	v10 =	vsub.f32 v10, v7;
	v12 =	vsub.f32 v12, v7  }
0x61: {  	v24 =	vld [tilespmem:s15+$0xFFFFFEA0];
	v14 =	vsub.f32 v14, v7;
	v11 =	vsub.f32 v11, v7  }
0x62: {  	v25 =	vld [tilespmem:s15+$0xFFFFFE90];
	v16 =	vsub.f32 v16, v7;
	v13 =	vmul.f32 v13, v13;
	v12 =	vmul.f32 v12, v12  }
0x63: {  	v28 =	vld [tilespmem:s15+$0xFFFFFF10];
	v18 =	vsub.f32 v18, v7;
	v20 =	vsub.f32 v20, v7  }
0x64: {  	v8 =	vld.idx.msk [tilespmem:v4+s2+$0x0], $0xffff;
	v13 =	vadd.f32 v12, v13;
	v12 =	vmul.f32 v16, v16;
	v16 =	vsub.f32 v19, v9  }
0x65: {  	v22 =	vsub.f32 v22, v7;
	v15 =	vmul.f32 v15, v15;
	v14 =	vmul.f32 v14, v14;
	v19 =	vld [tilespmem:s15+$0xFFFFFE20]  }
0x66: {  	v26 =	vld [tilespmem:s15+$0xFFFFFE00];
	v24 =	vsub.f32 v24, v7;
	v18 =	vmul.f32 v18, v18;
	v16 =	vmul.f32 v16, v16  }
0x67: {  	v25 =	vsub.f32 v25, v7;
	v14 =	vadd.f32 v14, v15;
	v15 =	vld [tilespmem:s15+$0xFFFFFE80]  }
0x68: {  	v17 =	vmul.f32 v17, v17;
	v21 =	vmul.f32 v21, v21;
	v16 =	vadd.f32 v18, v16;
	v18 =	vld [tilespmem:s15+$0xFFFFFE10]  }
0x69: {  	v27 =	vld [tilespmem:s15+$0xFFFFFF00];
	v28 =	vsub.f32 v28, v8;
	v23 =	vmul.f32 v23, v23;
	v20 =	vmul.f32 v20, v20  }
0x6a: {  	v22 =	vmul.f32 v22, v22;
	v24 =	vmul.f32 v24, v24;
	v19 =	vsub.f32 v19, v9  }
0x6b: {  	v10 =	vmul.f32 v10, v10;
	v20 =	vadd.f32 v20, v21;
	v21 =	vsub.f32 v26, v9;
	v26 =	vld [tilespmem:s15+$0xFFFFFF20]  }
0x6c: {  	v29 =	vld [tilespmem:s15+$0xFFFFFF30];
	v25 =	vmul.f32 v25, v25;
	v15 =	vsub.f32 v15, v7;
	v19 =	vmul.f32 v19, v19  }
0x6d: {  	v17 =	vadd.f32 v12, v17;
	v12 =	vmul.f32 v21, v21;
	v21 =	vld [tilespmem:s15+$0xFFFFFF40];
	v18 =	vsub.f32 v18, v9  }
0x6e: {  	v15 =	vmul.f32 v15, v15;
	v19 =	vadd.f32 v24, v19;
	v24 =	vsub.f32 v27, v8;
	v27 =	vld [tilespmem:s15+$0xFFFFFF50]  }
0x6f: {  	v30 =	vld [tilespmem:s15+$0xFFFFFF60];
	v22 =	vadd.f32 v22, v23;
	v23 =	vimm.f32 $+Inf;
	v18 =	vmul.f32 v18, v18  }
0x70: {  	v12 =	vadd.f32 v15, v12;
	v15 =	vmul.f32 v24, v24;
	v24 =	vsub.f32 v26, v8;
	v26 =	vld [tilespmem:s15+$0xFFFFFF70]  }
0x71: {  	v18 =	vadd.f32 v25, v18;
	v25 =	vmul.f32 v28, v28;
	v28 =	vsub.f32 v29, v8;
	v29 =	vld [tilespmem:s15+$0x90]  }
0x72: {  	v21 =	vsub.f32 v21, v8;
	v15 =	vadd.f32 v15, v12;
	v12 =	vmul.f32 v24, v24;
	v24 =	vld [tilespmem:s15+$0x10]  }
0x73: {  	v27 =	vsub.f32 v27, v8;
	v18 =	vadd.f32 v25, v18;
	v25 =	vmul.f32 v28, v28;
	v28 =	vld [tilespmem:s15+$0x100]  }
0x74: {  	v23 =	vmin.f32 v23, v15;
	v31 =	vadd.f32 v12, v19;
	v12 =	vmul.f32 v21, v21;
	v19 =	vld [tilespmem:s15+$0xA0]  }
0x75: {  	v21 =	vmin.f32 v23, v18;
	v22 =	vadd.f32 v25, v22;
	v23 =	vsub.f32 v26, v8;
	v25 =	vld [tilespmem:s15+$0x110]  }
0x76: {  	v20 =	vadd.f32 v12, v20;
	v21 =	vmin.f32 v21, v31;
	v26 =	vsub.f32 v29, v7;
	v29 =	vld [tilespmem:s15+$0x20]  }
0x77: {  	v33 =	vld [tilespmem:s15+$0x120];
	v24 =	vsub.f32 v24, v9;
	v12 =	vmin.f32 v21, v22;
	v23 =	vmul.f32 v23, v23  }
0x78: {  	s16 =	simm.s32 $0x4080;
	v21 =	vmul.f32 v27, v27;
	v27 =	vld [tilespmem:s15+$0xB0];
	v32 =	vmin.f32 v12, v20;
	v28 =	vsub.f32 v28, v8  }
0x79: {  	[tilespmem:s16+$0xFFFFFF90] =	vst v18;
	v18 =	vld [tilespmem:s15+$0x130];
	v12 =	vadd.f32 v23, v14;
	v23 =	vmul.f32 v26, v26;
	v14 =	vsub.f32 v19, v7  }
0x7a: {  	v34 =	vadd.f32 v21, v16;
	v21 =	vmul.f32 v24, v24;
	v24 =	vld [tilespmem:s15+$0x40];
	v16 =	vmul.f32 v28, v28  }
0x7b: {  	[tilespmem:s16+$0xFFFFFF80] =	vst v15;
	v15 =	vmul.f32 v11, v11;
	v25 =	vsub.f32 v25, v8;
	v28 =	vsub.f32 v29, v9;
	v29 =	vld [tilespmem:s15+$0xD0]  }
0x7c: {  	v26 =	vld [tilespmem:s15+$0x30];
	v23 =	vadd.f32 v23, v21;
	v11 =	vadd.f32 v16, v13;
	v13 =	vmul.f32 v14, v14  }
0x7d: {  	[tilespmem:s16+$0xFFFFFFB0] =	vst v22;
	v22 =	vld [tilespmem:s15+$0x60];
	v27 =	vsub.f32 v27, v7;
	v16 =	vsub.f32 v30, v8;
	v25 =	vmul.f32 v25, v25  }
0x7e: {  	[tilespmem:s16+$0xFFFFFFA0] =	vst v31;
	v19 =	vld [tilespmem:s15+$0x140];
	v14 =	vmin.f32 v32, v34;
	v30 =	vsub.f32 v33, v8;
	v28 =	vmul.f32 v28, v28  }
0x7f: {  	[tilespmem:s16+$0xFFFFFFC0] =	vst v20;
	v21 =	vld [tilespmem:s15+$0x50];
	v31 =	vmul.f32 v16, v16;
	v24 =	vsub.f32 v24, v9;
	v16 =	vadd.f32 v25, v23  }
0x80: {  	v20 =	vld [tilespmem:s15+$0x150];
	[tilespmem:s16+$0xFFFFFFF0] =	vst v12;
	v23 =	vmul.f32 v30, v30;
	v63 =	vadd.f32 v13, v28;
	v29 =	vsub.f32 v29, v7  }
0x81: {  	[tilespmem:s16+$0xFFFFFFD0] =	vst v34;
	v27 =	vmul.f32 v27, v27;
	v28 =	vsub.f32 v26, v9;
	v25 =	vmul.f32 v24, v24;
	v24 =	vld [tilespmem:s15+$0x160]  }
0x82: {  	s18 =	simm.s32 $0x0;
	s19 =	simm.s32 $0x200;
	s17 =	simm.s32 $0x4080;
	[tilespmem:s16+$0x0] =	vst v11;
	v26 =	vld [tilespmem:s15+$0x70];
	v13 =	vadd.f32 v31, v17;
	v17 =	vadd.f32 v23, v63;
	v23 =	vmul.f32 v29, v29  }
.LBB2_3:
0x83: {  	s18 =	sadd.s32 $0x100, s18;
	v28 =	vmul.f32 v28, v28;
	v19 =	vsub.f32 v19, v8;
	v15 =	vadd.f32 v15, v25;
	v25 =	vld [tilespmem:s15+$0x170];
	s19 =	sadd.s32 $0x400, s19;
	s16 =	sadd.s32 $0x100, s16  }
0x84: {  	v14 =	vmin.f32 v14, v13;
	v21 =	vsub.f32 v21, v9;
	p0 =	slt.u32 s18, $0x700;
	[tilespmem:s17+$0x10] =	vst v16;
	v22 =	vsub.f32 v22, v9;
	v29 =	vld [tilespmem:s15+$0xF0];
	s15 =	smov.u32 s19  }
0x85: {  	v12 =	vmin.f32 v14, v12;
	v14 =	vsub.f32 v18, v8;
	v30 =	vld [tilespmem:s19+$0xE0];
	[tilespmem:s17+$0x20] =	vst v17;
	v18 =	vadd.f32 v27, v28  }
0x86: {  	v11 =	vmin.f32 v12, v11;
	v12 =	vmul.f32 v21, v21;
	v27 =	vld [tilespmem:s19+$0xC0];
	v21 =	vsub.f32 v24, v8  }
0x87: {  	v11 =	vmin.f32 v11, v16;
	v16 =	vsub.f32 v20, v8;
	v24 =	vld [tilespmem:s19+$0x80];
	v20 =	vsub.f32 v26, v9  }
0x88: {  	v17 =	vmin.f32 v11, v17;
	v12 =	vadd.f32 v23, v12;
	v26 =	vld [tilespmem:s19+$0x0];
	v23 =	vsub.f32 v25, v8  }
0x89: {  	v16 =	vmul.f32 v16, v16;
	v21 =	vmul.f32 v21, v21;
	v25 =	vld [tilespmem:s19+$0xFFFFFEF0];
	v28 =	vsub.f32 v29, v7  }
0x8a: {  	v22 =	vmul.f32 v22, v22;
	v20 =	vmul.f32 v20, v20;
	v29 =	vld [tilespmem:s19+$0xFFFFFE70];
	v30 =	vsub.f32 v30, v7  }
0x8b: {  	v14 =	vmul.f32 v14, v14;
	v23 =	vmul.f32 v23, v23;
	v31 =	vld [tilespmem:s19+$0xFFFFFEE0];
	v11 =	vsub.f32 v27, v7  }
0x8c: {  	v19 =	vmul.f32 v19, v19;
	v10 =	vadd.f32 v10, v22;
	v27 =	vld [tilespmem:s19+$0xFFFFFE60];
	v24 =	vsub.f32 v24, v7  }
0x8d: {  	v14 =	vadd.f32 v14, v18;
	v22 =	vld [tilespmem:s19+$0xFFFFFED0];
	v26 =	vsub.f32 v26, v9;
	[tilespmem:s17+$0xFFFFFFE0] =	vst v13;
	v13 =	vmul.f32 v28, v28  }
0x8e: {  	v10 =	vadd.f32 v21, v10;
	v18 =	vld [tilespmem:s19+$0xFFFFFE50];
	v25 =	vsub.f32 v25, v7;
	v24 =	vmul.f32 v24, v24  }
0x8f: {  	v12 =	vadd.f32 v16, v12;
	v21 =	vld [tilespmem:s19+$0xFFFFFEC0];
	v28 =	vsub.f32 v29, v9;
	v26 =	vmul.f32 v26, v26;
	[tilespmem:s17+$0x30] =	vst v14  }
0x90: {  	v20 =	vadd.f32 v13, v20;
	v16 =	vld [tilespmem:s19+$0xFFFFFE40];
	v29 =	vsub.f32 v31, v7;
	v25 =	vmul.f32 v25, v25;
	[tilespmem:s17+$0x60] =	vst v10  }
0x91: {  	v31 =	vld [tilespmem:s19+$0xFFFFFEB0];
	v27 =	vsub.f32 v27, v9;
	v28 =	vmul.f32 v28, v28;
	v13 =	vadd.f32 v24, v26;
	[tilespmem:s17+$0x50] =	vst v12  }
0x92: {  	v15 =	vadd.f32 v19, v15;
	v24 =	vld [tilespmem:s19+$0xFFFFFE30];
	v22 =	vsub.f32 v22, v7;
	v26 =	vmul.f32 v29, v29  }
0x93: {  	v14 =	vmin.f32 v17, v14;
	v19 =	vld [tilespmem:s19+$0xFFFFFEA0];
	v18 =	vsub.f32 v18, v9;
	v27 =	vmul.f32 v27, v27  }
0x94: {  	v14 =	vmin.f32 v14, v15;
	v17 =	vld [tilespmem:s19+$0xFFFFFE20];
	v21 =	vsub.f32 v21, v7;
	v22 =	vmul.f32 v22, v22;
	[tilespmem:s17+$0x40] =	vst v15  }
0x95: {  	v12 =	vmin.f32 v14, v12;
	v15 =	vld [tilespmem:s19+$0xFFFFFE90];
	v16 =	vsub.f32 v16, v9;
	v18 =	vmul.f32 v18, v18  }
0x96: {  	v25 =	vadd.f32 v25, v28;
	v14 =	vld [tilespmem:s19+$0xFFFFFE00];
	v29 =	vsub.f32 v31, v7;
	v21 =	vmul.f32 v21, v21  }
0x97: {  	v28 =	vld [tilespmem:s19+$0xFFFFFE80];
	v24 =	vsub.f32 v24, v9;
	v16 =	vmul.f32 v16, v16;
	v18 =	vadd.f32 v22, v18  }
0x98: {  	v10 =	vmin.f32 v12, v10;
	v22 =	vld [tilespmem:s19+$0xFFFFFE10];
	v19 =	vsub.f32 v19, v7;
	v29 =	vmul.f32 v29, v29  }
0x99: {  	v20 =	vadd.f32 v23, v20;
	v12 =	vld [tilespmem:s19+$0xFFFFFF00];
	v17 =	vsub.f32 v17, v9;
	v24 =	vmul.f32 v24, v24  }
0x9a: {  	v16 =	vadd.f32 v21, v16;
	v15 =	vsub.f32 v15, v7;
	v23 =	vld [tilespmem:s19+$0xFFFFFF10];
	v19 =	vmul.f32 v19, v19  }
0x9b: {  	v14 =	vsub.f32 v14, v9;
	v21 =	vld [tilespmem:s19+$0xFFFFFF20];
	v17 =	vmul.f32 v17, v17;
	v24 =	vadd.f32 v29, v24;
	[tilespmem:s17+$0x70] =	vst v20;
	s17 =	smov.u32 s16  }
0x9c: {  	v26 =	vadd.f32 v26, v27;
	v20 =	vmin.f32 v10, v20;
	v28 =	vsub.f32 v28, v7;
	v29 =	vld [tilespmem:s19+$0xFFFFFF30]  }
0x9d: {  	v14 =	vmul.f32 v14, v14;
	v22 =	vsub.f32 v22, v9;
	v17 =	vadd.f32 v19, v17;
	v19 =	vld [tilespmem:s19+$0xFFFFFF40]  }
0x9e: {  	v10 =	vmul.f32 v30, v30;
	v12 =	vsub.f32 v12, v8;
	v27 =	vmul.f32 v28, v28;
	v28 =	vld [tilespmem:s19+$0xFFFFFF50]  }
0x9f: {  	v15 =	vmul.f32 v15, v15;
	v23 =	vsub.f32 v23, v8;
	v22 =	vmul.f32 v22, v22;
	v30 =	vld [tilespmem:s19+$0xFFFFFF60]  }
0xa0: {  	v14 =	vadd.f32 v27, v14;
	v12 =	vmul.f32 v12, v12;
	v21 =	vsub.f32 v21, v8;
	v27 =	vld [tilespmem:s19+$0xFFFFFF70]  }
0xa1: {  	v15 =	vadd.f32 v15, v22;
	v22 =	vmul.f32 v23, v23;
	v23 =	vsub.f32 v29, v8;
	v29 =	vld [tilespmem:s19+$0x90]  }
0xa2: {  	v12 =	vadd.f32 v12, v14;
	v14 =	vmul.f32 v21, v21;
	v19 =	vsub.f32 v19, v8;
	v21 =	vld [tilespmem:s19+$0x10]  }
0xa3: {  	v15 =	vadd.f32 v22, v15;
	v22 =	vmul.f32 v23, v23;
	v23 =	vsub.f32 v28, v8;
	v28 =	vld [tilespmem:s19+$0x100]  }
0xa4: {  	[tilespmem:s16+$0xFFFFFF80] =	vst v12;
	v12 =	vmin.f32 v20, v12;
	v14 =	vadd.f32 v14, v17;
	v17 =	vmul.f32 v19, v19;
	v19 =	vld [tilespmem:s19+$0xA0]  }
0xa5: {  	[tilespmem:s16+$0xFFFFFF90] =	vst v15;
	v12 =	vmin.f32 v12, v15;
	v15 =	vadd.f32 v22, v24;
	v20 =	vsub.f32 v27, v8;
	v22 =	vld [tilespmem:s19+$0x110]  }
0xa6: {  	[tilespmem:s16+$0xFFFFFFA0] =	vst v14;
	v12 =	vmin.f32 v12, v14;
	v14 =	vadd.f32 v17, v16;
	v16 =	vsub.f32 v29, v7;
	v17 =	vld [tilespmem:s19+$0x20]  }
0xa7: {  	[tilespmem:s16+$0xFFFFFFB0] =	vst v15;
	v12 =	vmin.f32 v12, v15;
	v15 =	vmul.f32 v23, v23;
	v20 =	vmul.f32 v20, v20;
	v23 =	vld [tilespmem:s19+$0xB0]  }
0xa8: {  	v21 =	vsub.f32 v21, v9;
	[tilespmem:s16+$0xFFFFFFC0] =	vst v14;
	v14 =	vmin.f32 v12, v14;
	v24 =	vsub.f32 v28, v8;
	v27 =	vld [tilespmem:s19+$0x120]  }
0xa9: {  	v16 =	vmul.f32 v16, v16;
	v12 =	vadd.f32 v20, v25;
	v19 =	vsub.f32 v19, v7;
	v25 =	vld [tilespmem:s19+$0x30]  }
0xaa: {  	v18 =	vadd.f32 v15, v18;
	v21 =	vmul.f32 v21, v21;
	v20 =	vmul.f32 v24, v24;
	v24 =	vld [tilespmem:s19+$0x40]  }
0xab: {  	v15 =	vmul.f32 v11, v11;
	v22 =	vsub.f32 v22, v8;
	[tilespmem:s16+$0xFFFFFFF0] =	vst v12;
	v17 =	vsub.f32 v17, v9;
	v28 =	vld [tilespmem:s19+$0xD0]  }
0xac: {  	[tilespmem:s16+$0xFFFFFFD0] =	vst v18;
	v11 =	vadd.f32 v20, v13;
	v13 =	vmul.f32 v19, v19;
	v23 =	vsub.f32 v23, v7;
	v19 =	vld [tilespmem:s19+$0x140]  }
0xad: {  	v14 =	vmin.f32 v14, v18;
	v20 =	vsub.f32 v30, v8;
	v17 =	vmul.f32 v17, v17;
	v18 =	vld [tilespmem:s19+$0x130]  }
.Ltmp4:
0xae: {  	v16 =	vadd.f32 v16, v21;
	v29 =	vmul.f32 v22, v22;
	v27 =	vsub.f32 v27, v8;
	[tilespmem:s16+$0x0] =	vst v11;
	v21 =	vld [tilespmem:s19+$0x50];
	(pc) =	sbr.rel @p0 .LBB2_3-.Ltmp4, $4  }
0xaf: {  	v30 =	vmul.f32 v20, v20;
	v17 =	vadd.f32 v13, v17;
	v24 =	vsub.f32 v24, v9;
	v22 =	vld [tilespmem:s19+$0x60]  }
0xb0: {  	v16 =	vadd.f32 v29, v16;
	v27 =	vmul.f32 v27, v27;
	v29 =	vsub.f32 v28, v7;
	v20 =	vld [tilespmem:s19+$0x150]  }
0xb1: {  	v13 =	vadd.f32 v30, v26;
	v28 =	vsub.f32 v25, v9;
	v25 =	vmul.f32 v24, v24;
	v24 =	vld [tilespmem:s19+$0x160]  }
0xb2: {  	v17 =	vadd.f32 v27, v17;
	v27 =	vmul.f32 v23, v23;
	v23 =	vmul.f32 v29, v29;
	v26 =	vld [tilespmem:s19+$0x70]  }
0xb3: {  	v28 =	vmul.f32 v28, v28;
	v21 =	vsub.f32 v21, v9;
	v30 =	vld [tilespmem:s15+$0xF0]  }
0xb4: {  	v29 =	vld [tilespmem:s15+$0x170];
	v19 =	vsub.f32 v19, v8;
	v18 =	vsub.f32 v18, v8  }
0xb5: {  	v22 =	vsub.f32 v22, v9;
	v27 =	vadd.f32 v27, v28  }
0xb6: {  	v21 =	vmul.f32 v21, v21;
	v20 =	vsub.f32 v20, v8;
	v18 =	vmul.f32 v18, v18  }
0xb7: {  	v24 =	vsub.f32 v24, v8;
	v22 =	vmul.f32 v22, v22;
	v9 =	vsub.f32 v26, v9  }
0xb8: {  	v21 =	vadd.f32 v23, v21;
	v20 =	vmul.f32 v20, v20;
	v7 =	vsub.f32 v30, v7  }
0xb9: {  	[tilespmem:s17+$0x10] =	vst v16;
	v18 =	vadd.f32 v18, v27;
	v8 =	vsub.f32 v29, v8;
	v58 =	vmul.f32 v24, v24  }
0xba: {  	[tilespmem:s17+$0xFFFFFFE0] =	vst v13;
	v10 =	vadd.f32 v10, v22;
	v9 =	vmul.f32 v9, v9;
	v7 =	vmul.f32 v7, v7  }
0xbb: {  	v15 =	vadd.f32 v15, v25;
	[tilespmem:s17+$0x20] =	vst v17;
	v19 =	vmul.f32 v19, v19;
	v20 =	vadd.f32 v20, v21  }
0xbc: {  	[tilespmem:s17+$0x30] =	vst v18;
	v10 =	vadd.f32 v58, v10;
	v8 =	vmul.f32 v8, v8;
	v7 =	vadd.f32 v7, v9  }
0xbd: {  	[tilespmem:s17+$0x50] =	vst v20;
	v9 =	vadd.f32 v19, v15  }
0xbe: {  	[tilespmem:s17+$0x60] =	vst v10;
	v7 =	vadd.f32 v8, v7  }
0xbf: {  	[tilespmem:s17+$0x40] =	vst v9  }
0xc0: {  	[tilespmem:s17+$0x70] =	vst v7  }
0xc1: {  	[tilespmem:$0x4800] =	vst v1  }
0xc2: {  	[tilespmem:$0x4810] =	vst v1  }
0xc3: {  	v8 =	vmin.f32 v14, v13;
	[tilespmem:$0x4820] =	vst v1  }
0xc4: {  	v8 =	vmin.f32 v8, v12;
	[tilespmem:$0x4830] =	vst v1  }
0xc5: {  	v8 =	vmin.f32 v8, v11;
	[tilespmem:$0x4840] =	vst v1  }
0xc6: {  	v8 =	vmin.f32 v8, v16;
	[tilespmem:$0x4850] =	vst v1  }
0xc7: {  	[tilespmem:$0x4860] =	vst v1;
	v8 =	vmin.f32 v8, v17  }
0xc8: {  	[tilespmem:$0x4870] =	vst v1;
	v8 =	vmin.f32 v8, v18  }
0xc9: {  	[tilespmem:$0x4880] =	vst v1;
	v8 =	vmin.f32 v8, v9  }
0xca: {  	[tilespmem:$0x4890] =	vst v1;
	v8 =	vmin.f32 v8, v20  }
0xcb: {  	[tilespmem:$0x48A0] =	vst v1;
	v8 =	vmin.f32 v8, v10  }
0xcc: {  	[tilespmem:$0x48B0] =	vst v1;
	v7 =	vmin.f32 v8, v7  }
0xcd: {  	[tilespmem:$0x48C0] =	vst v1;
	(xrf0) =	vmax.scan.msk.f32 $0xffff, v7  }
0xce: {  	[tilespmem:$0x48D0] =	vst v1  }
0xcf: {  	[tilespmem:$0x48E0] =	vst v1  }
0xd0: {  	s17 =	simm.s32 $0x4040;
	[tilespmem:$0x48F0] =	vst v1  }
0xd1: {  	v9 =	vld [tilespmem:s17+$0xFFFFFFC0];
	_ =	sdelay $0x1  }
0xd2: {  	v7, _, _ =	vpop (xrf0)  }
0xd3: {  	v7 =	vbroadcast v7, $0xF;
	_ =	sdelay $0x1  }
0xd4: {  	vm0 =	vle.f32 v9, v7  }
0xd5: {  	(xrf0) =	vadd.scan.msk.s32 vm0, v2;
	_ =	sdelay $0x2  }
0xd6: {  	v10 =	vld [tilespmem:s17+$0xFFFFFFD0];
	_ =	sdelay $0x2  }
0xd7: {  	v8 =	vimm.s32 $0x0;
	v11, _, _ =	vpop (xrf0)  }
0xd8: {  	v11 =	vadd.s32 v11, v8  }
0xd9: {  	vm1 =	vle.f32 v10, v7;
	v11 =	vadd.s32 $0xFFFFFFFF, v11  }
0xda: {  	(xrf0) =	vadd.scan.msk.s32 vm1, v2;
	vm2 =	vlt.s32 v11, $0x100  }
0xdb: {  	vm0 =	vmand vm0, vm2  }
0xdc: {  	v13 =	vmpcnt.ones.xlane vm0  }
0xdd: {  	v12 =	vld [tilespmem:s17+$0xFFFFFFE0];
	_ =	sdelay $0x2  }
0xde: {  	v8 =	vadd.s32 v8, v13;
	v13, _, _ =	vpop (xrf0)  }
0xdf: {  	v13 =	vadd.s32 v13, v8  }
0xe0: {  	vm2 =	vle.f32 v12, v7;
	v13 =	vadd.s32 $0xFFFFFFFF, v13  }
0xe1: {  	(xrf0) =	vadd.scan.msk.s32 vm2, v2;
	vm3 =	vlt.s32 v13, $0x100  }
0xe2: {  	v14 =	vld [tilespmem:s17+$0xFFFFFFF0];
	vm1 =	vmand vm1, vm3  }
0xe3: {  	v15 =	vmpcnt.ones.xlane vm1;
	_ =	sdelay $0x3  }
0xe4: {  	vm3 =	vle.f32 v14, v7;
	v8 =	vadd.s32 v8, v15;
	v15, _, _ =	vpop (xrf0)  }
0xe5: {  	(xrf0) =	vadd.scan.msk.s32 vm3, v2;
	v15 =	vadd.s32 v15, v8  }
0xe6: {  	v59 =	vld [tilespmem:s17+$0x0];
	v15 =	vadd.s32 $0xFFFFFFFF, v15  }
0xe7: {  	vm4 =	vlt.s32 v15, $0x100  }
0xe8: {  	vm2 =	vmand vm2, vm4  }
0xe9: {  	v60 =	vmpcnt.ones.xlane vm2;
	_ =	sdelay $0x1  }
0xea: {  	vm15 =	vle.f32 v59, v7;
	v17 =	vadd.s32 v8, v60;
	v8, _, _ =	vpop (xrf0)  }
0xeb: {  	(xrf0) =	vadd.scan.msk.s32 vm15, v2;
	v8 =	vadd.s32 v8, v17  }
0xec: {  	v61 =	vadd.s32 $0xFFFFFFFF, v8  }
0xed: {  	vm5 =	vlt.s32 v61, $0x100  }
0xee: {  	v8 =	vld [tilespmem:s17+$0x10];
	vm5 =	vmand vm3, vm5  }
0xef: {  	v62 =	vmpcnt.ones.xlane vm5;
	_ =	sdelay $0x1  }
0xf0: {  	s16 =	simm.s32 $0x0;
	v63, _, _ =	vpop (xrf0);
	v17 =	vadd.s32 v17, v62  }
0xf1: {  	[tilespmem:v11+s10+$0x0] =	vst.idx.msk vm0, v9;
	v9 =	vor.u32 s16, v0;
	v19 =	vadd.s32 v63, v17  }
0xf2: {  	s28 =	simm.s32 $0x10;
	[tilespmem:v11+s11+$0x0] =	vst.idx.msk vm0, v9;
	vm3 =	vle.f32 v8, v7;
	v19 =	vadd.s32 $0xFFFFFFFF, v19  }
0xf3: {  	v9 =	vor.u32 s28, v0;
	[tilespmem:v13+s10+$0x0] =	vst.idx.msk vm1, v10;
	(xrf0) =	vadd.scan.msk.s32 vm3, v2;
	vm6 =	vlt.s32 v19, $0x100  }
0xf4: {  	[tilespmem:v13+s11+$0x0] =	vst.idx.msk vm1, v9;
	v9 =	vld [tilespmem:s17+$0x20];
	vm4 =	vmand vm15, vm6  }
0xf5: {  	v10 =	vmpcnt.ones.xlane vm4;
	_ =	sdelay $0x2  }
0xf6: {  	s29 =	simm.s32 $0x20  }
0xf7: {  	v11 =	vor.u32 s29, v0;
	vm1 =	vle.f32 v9, v7;
	[tilespmem:v15+s10+$0x0] =	vst.idx.msk vm2, v12;
	v12 =	vadd.s32 v17, v10;
	v10, _, _ =	vpop (xrf0)  }
0xf8: {  	s30 =	simm.s32 $0x30;
	[tilespmem:v15+s11+$0x0] =	vst.idx.msk vm2, v11;
	(xrf0) =	vadd.scan.msk.s32 vm1, v2;
	v10 =	vadd.s32 v10, v12  }
0xf9: {  	v13 =	vor.u32 s30, v0;
	[tilespmem:v61+s10+$0x0] =	vst.idx.msk vm5, v14;
	v11 =	vadd.s32 $0xFFFFFFFF, v10;
	v10 =	vld [tilespmem:s17+$0x30]  }
0xfa: {  	s31 =	simm.s32 $0x40;
	[tilespmem:v61+s11+$0x0] =	vst.idx.msk vm5, v13;
	vm0 =	vlt.s32 v11, $0x100  }
0xfb: {  	v13 =	vor.u32 s31, v0;
	[tilespmem:v19+s10+$0x0] =	vst.idx.msk vm4, v59;
	vm0 =	vmand vm3, vm0  }
0xfc: {  	[tilespmem:v19+s11+$0x0] =	vst.idx.msk vm4, v13;
	v13 =	vmpcnt.ones.xlane vm0  }
0xfd: {  	s15 =	simm.s32 $0x80;
	s18 =	simm.s32 $0x100  }
.LBB2_5:
0xfe: {  	p0 =	slt.u32 s18, $0x780;
	v12 =	vadd.s32 v12, v13;
	vm2 =	vle.f32 v10, v7;
	v13, _, _ =	vpop (xrf0)  }
0xff: {  	s17 =	sadd.s32 $0x80, s17;
	v13 =	vadd.s32 v13, v12;
	(xrf0) =	vadd.scan.msk.s32 vm2, v2  }
0x100: {  	s19 =	sadd.s32 $0x50, s16;
	v14 =	vld [tilespmem:s17+$0xFFFFFFC0];
	v13 =	vadd.s32 $0xFFFFFFFF, v13  }
0x101: {  	[tilespmem:v11+s10+$0x0] =	vst.idx.msk vm0, v8;
	v8 =	vor.u32 s19, v0;
	vm3 =	vlt.s32 v13, $0x100  }
0x102: {  	[tilespmem:v11+s11+$0x0] =	vst.idx.msk vm0, v8;
	vm1 =	vmand vm1, vm3  }
0x103: {  	v8 =	vmpcnt.ones.xlane vm1;
	_ =	sdelay $0x1  }
0x104: {  	vm0 =	vle.f32 v14, v7;
	v8 =	vadd.s32 v12, v8;
	v11, _, _ =	vpop (xrf0)  }
0x105: {  	(xrf0) =	vadd.scan.msk.s32 vm0, v2;
	v11 =	vadd.s32 v11, v8  }
0x106: {  	s19 =	sadd.s32 $0x60, s16;
	v12 =	vld [tilespmem:s17+$0xFFFFFFD0];
	v11 =	vadd.s32 $0xFFFFFFFF, v11  }
0x107: {  	[tilespmem:v13+s10+$0x0] =	vst.idx.msk vm1, v9;
	v9 =	vor.u32 s19, v0;
	vm3 =	vlt.s32 v11, $0x100  }
0x108: {  	[tilespmem:v13+s11+$0x0] =	vst.idx.msk vm1, v9;
	vm2 =	vmand vm2, vm3  }
0x109: {  	v9 =	vmpcnt.ones.xlane vm2;
	_ =	sdelay $0x1  }
0x10a: {  	vm1 =	vle.f32 v12, v7;
	v13, _, _ =	vpop (xrf0);
	v8 =	vadd.s32 v8, v9  }
0x10b: {  	v9 =	vadd.s32 v13, v8;
	(xrf0) =	vadd.scan.msk.s32 vm1, v2  }
0x10c: {  	s19 =	sadd.s32 $0x70, s16;
	s16 =	smov.u32 s15;
	s15 =	smov.u32 s18;
	v9 =	vadd.s32 $0xFFFFFFFF, v9;
	v13 =	vld [tilespmem:s17+$0xFFFFFFE0]  }
0x10d: {  	vm3 =	vlt.s32 v9, $0x100;
	[tilespmem:v11+s10+$0x0] =	vst.idx.msk vm2, v10;
	v10 =	vor.u32 s19, v0  }
0x10e: {  	vm0 =	vmand vm0, vm3;
	[tilespmem:v11+s11+$0x0] =	vst.idx.msk vm2, v10  }
0x10f: {  	v11 =	vmpcnt.ones.xlane vm0;
	_ =	sdelay $0x1  }
0x110: {  	v8 =	vadd.s32 v8, v11;
	vm2 =	vle.f32 v13, v7;
	v10, _, _ =	vpop (xrf0)  }
0x111: {  	v10 =	vadd.s32 v10, v8;
	(xrf0) =	vadd.scan.msk.s32 vm2, v2  }
0x112: {  	v10 =	vadd.s32 $0xFFFFFFFF, v10;
	v11 =	vld [tilespmem:s17+$0xFFFFFFF0]  }
0x113: {  	[tilespmem:v9+s10+$0x0] =	vst.idx.msk vm0, v14;
	v14 =	vor.u32 s16, v0;
	vm3 =	vlt.s32 v10, $0x100  }
0x114: {  	[tilespmem:v9+s11+$0x0] =	vst.idx.msk vm0, v14;
	vm1 =	vmand vm1, vm3  }
0x115: {  	v14 =	vmpcnt.ones.xlane vm1;
	_ =	sdelay $0x1  }
0x116: {  	v8 =	vadd.s32 v8, v14;
	vm0 =	vle.f32 v11, v7;
	v9, _, _ =	vpop (xrf0)  }
0x117: {  	v9 =	vadd.s32 v9, v8;
	(xrf0) =	vadd.scan.msk.s32 vm0, v2  }
0x118: {  	s19 =	sadd.s32 $0x10, s16;
	v9 =	vadd.s32 $0xFFFFFFFF, v9;
	v14 =	vld [tilespmem:s17+$0x0]  }
0x119: {  	[tilespmem:v10+s10+$0x0] =	vst.idx.msk vm1, v12;
	v12 =	vor.u32 s19, v0;
	vm3 =	vlt.s32 v9, $0x100  }
0x11a: {  	[tilespmem:v10+s11+$0x0] =	vst.idx.msk vm1, v12;
	vm2 =	vmand vm2, vm3  }
0x11b: {  	v10 =	vmpcnt.ones.xlane vm2;
	_ =	sdelay $0x1  }
0x11c: {  	v10 =	vadd.s32 v8, v10;
	vm1 =	vle.f32 v14, v7;
	v8, _, _ =	vpop (xrf0)  }
0x11d: {  	v8 =	vadd.s32 v8, v10;
	(xrf0) =	vadd.scan.msk.s32 vm1, v2  }
0x11e: {  	s19 =	sadd.s32 $0x20, s16;
	v12 =	vadd.s32 $0xFFFFFFFF, v8;
	v8 =	vld [tilespmem:s17+$0x10]  }
0x11f: {  	[tilespmem:v9+s10+$0x0] =	vst.idx.msk vm2, v13;
	v13 =	vor.u32 s19, v0;
	vm3 =	vlt.s32 v12, $0x100  }
0x120: {  	[tilespmem:v9+s11+$0x0] =	vst.idx.msk vm2, v13;
	vm2 =	vmand vm0, vm3  }
0x121: {  	v13 =	vmpcnt.ones.xlane vm2;
	_ =	sdelay $0x1  }
0x122: {  	v10 =	vadd.s32 v10, v13;
	vm0 =	vle.f32 v8, v7;
	v9, _, _ =	vpop (xrf0)  }
0x123: {  	v9 =	vadd.s32 v9, v10;
	(xrf0) =	vadd.scan.msk.s32 vm0, v2  }
0x124: {  	s19 =	sadd.s32 $0x30, s16;
	v13 =	vadd.s32 $0xFFFFFFFF, v9;
	v9 =	vld [tilespmem:s17+$0x20]  }
0x125: {  	[tilespmem:v12+s10+$0x0] =	vst.idx.msk vm2, v11;
	v11 =	vor.u32 s19, v0;
	vm3 =	vlt.s32 v13, $0x100  }
0x126: {  	[tilespmem:v12+s11+$0x0] =	vst.idx.msk vm2, v11;
	vm2 =	vmand vm1, vm3  }
0x127: {  	v11 =	vmpcnt.ones.xlane vm2;
	_ =	sdelay $0x1  }
0x128: {  	v12 =	vadd.s32 v10, v11;
	vm1 =	vle.f32 v9, v7;
	v10, _, _ =	vpop (xrf0)  }
0x129: {  	v10 =	vadd.s32 v10, v12;
	(xrf0) =	vadd.scan.msk.s32 vm1, v2  }
.Ltmp5:
0x12a: {  	s19 =	sadd.s32 $0x40, s16;
	v11 =	vadd.s32 $0xFFFFFFFF, v10;
	v10 =	vld [tilespmem:s17+$0x30];
	(pc) =	sbr.rel @p0 .LBB2_5-.Ltmp5, $4  }
0x12b: {  	[tilespmem:v13+s10+$0x0] =	vst.idx.msk vm2, v14;
	v14 =	vor.u32 s19, v0;
	vm3 =	vlt.s32 v11, $0x100  }
0x12c: {  	[tilespmem:v13+s11+$0x0] =	vst.idx.msk vm2, v14;
	vm0 =	vmand vm0, vm3  }
0x12d: {  	v13 =	vmpcnt.ones.xlane vm0  }
0x12e: {  	s18 =	sadd.s32 $0x80, s18  }
0x12f: {  	v12 =	vadd.s32 v12, v13;
	vm2 =	vle.f32 v10, v7;
	v55, _, _ =	vpop (xrf0)  }
0x130: {  	s17 =	sadd.s32 $0x80, s17;
	v13 =	vadd.s32 v55, v12;
	(xrf0) =	vadd.scan.msk.s32 vm2, v2  }
0x131: {  	v14 =	vld [tilespmem:s17+$0xFFFFFFC0];
	v13 =	vadd.s32 $0xFFFFFFFF, v13  }
0x132: {  	vm3 =	vlt.s32 v13, $0x100  }
0x133: {  	vm1 =	vmand vm1, vm3  }
0x134: {  	v15 =	vmpcnt.ones.xlane vm1;
	_ =	sdelay $0x1  }
0x135: {  	vm11 =	vle.f32 v14, v7;
	v12 =	vadd.s32 v12, v15;
	v56, _, _ =	vpop (xrf0)  }
0x136: {  	(xrf0) =	vadd.scan.msk.s32 vm11, v2;
	v15 =	vadd.s32 v56, v12  }
0x137: {  	v16 =	vld [tilespmem:s17+$0xFFFFFFD0];
	v15 =	vadd.s32 $0xFFFFFFFF, v15  }
0x138: {  	vm4 =	vlt.s32 v15, $0x100  }
0x139: {  	vm2 =	vmand vm2, vm4  }
0x13a: {  	v17 =	vmpcnt.ones.xlane vm2;
	_ =	sdelay $0x1  }
0x13b: {  	vm12 =	vle.f32 v16, v7;
	v18, _, _ =	vpop (xrf0);
	v12 =	vadd.s32 v12, v17  }
0x13c: {  	(xrf0) =	vadd.scan.msk.s32 vm12, v2;
	v17 =	vadd.s32 v18, v12  }
0x13d: {  	v57 =	vld [tilespmem:s17+$0xFFFFFFE0];
	v17 =	vadd.s32 $0xFFFFFFFF, v17  }
0x13e: {  	vm5 =	vlt.s32 v17, $0x100  }
0x13f: {  	vm3 =	vmand vm11, vm5  }
0x140: {  	v19 =	vmpcnt.ones.xlane vm3;
	_ =	sdelay $0x1  }
0x141: {  	vm13 =	vle.f32 v57, v7;
	v58, _, _ =	vpop (xrf0);
	v12 =	vadd.s32 v12, v19  }
0x142: {  	(xrf0) =	vadd.scan.msk.s32 vm13, v2;
	v19 =	vadd.s32 v58, v12  }
0x143: {  	v20 =	vld [tilespmem:s17+$0xFFFFFFF0];
	v19 =	vadd.s32 $0xFFFFFFFF, v19  }
0x144: {  	vm6 =	vlt.s32 v19, $0x100  }
0x145: {  	vm4 =	vmand vm12, vm6  }
0x146: {  	v21 =	vmpcnt.ones.xlane vm4;
	_ =	sdelay $0x1  }
0x147: {  	vm14 =	vle.f32 v20, v7;
	v59, _, _ =	vpop (xrf0);
	v12 =	vadd.s32 v12, v21  }
0x148: {  	(xrf0) =	vadd.scan.msk.s32 vm14, v2;
	v21 =	vadd.s32 v59, v12  }
0x149: {  	v22 =	vld [tilespmem:s17+$0x0];
	v21 =	vadd.s32 $0xFFFFFFFF, v21  }
0x14a: {  	vm7 =	vlt.s32 v21, $0x100  }
0x14b: {  	vm5 =	vmand vm13, vm7  }
0x14c: {  	v23 =	vmpcnt.ones.xlane vm5;
	_ =	sdelay $0x1  }
0x14d: {  	vm15 =	vle.f32 v22, v7;
	v60, _, _ =	vpop (xrf0);
	v12 =	vadd.s32 v12, v23  }
0x14e: {  	(xrf0) =	vadd.scan.msk.s32 vm15, v2;
	v23 =	vadd.s32 v60, v12  }
0x14f: {  	v24 =	vld [tilespmem:s17+$0x10];
	v23 =	vadd.s32 $0xFFFFFFFF, v23  }
0x150: {  	vm8 =	vlt.s32 v23, $0x100  }
0x151: {  	vm6 =	vmand vm14, vm8  }
0x152: {  	v25 =	vmpcnt.ones.xlane vm6;
	_ =	sdelay $0x1  }
0x153: {  	vm12 =	vle.f32 v24, v7;
	v61, _, _ =	vpop (xrf0);
	v12 =	vadd.s32 v12, v25  }
0x154: {  	(xrf0) =	vadd.scan.msk.s32 vm12, v2;
	v25 =	vadd.s32 v61, v12  }
0x155: {  	v26 =	vld [tilespmem:s17+$0x20];
	v25 =	vadd.s32 $0xFFFFFFFF, v25  }
0x156: {  	vm9 =	vlt.s32 v25, $0x100  }
0x157: {  	vm7 =	vmand vm15, vm9  }
0x158: {  	v27 =	vmpcnt.ones.xlane vm7;
	_ =	sdelay $0x1  }
0x159: {  	vm13 =	vle.f32 v26, v7;
	v62, _, _ =	vpop (xrf0);
	v12 =	vadd.s32 v12, v27  }
0x15a: {  	(xrf0) =	vadd.scan.msk.s32 vm13, v2;
	v27 =	vadd.s32 v62, v12  }
0x15b: {  	v28 =	vld [tilespmem:s17+$0x30];
	v27 =	vadd.s32 $0xFFFFFFFF, v27  }
0x15c: {  	vm10 =	vlt.s32 v27, $0x100  }
0x15d: {  	vm8 =	vmand vm12, vm10  }
0x15e: {  	v29 =	vmpcnt.ones.xlane vm8;
	_ =	sdelay $0x1  }
0x15f: {  	vm14 =	vle.f32 v28, v7;
	v7, _, _ =	vpop (xrf0);
	v12 =	vadd.s32 v12, v29  }
0x160: {  	(xrf0) =	vadd.scan.msk.s32 vm14, v2;
	v7 =	vadd.s32 v7, v12  }
0x161: {  	v7 =	vadd.s32 $0xFFFFFFFF, v7  }
0x162: {  	vm11 =	vlt.s32 v7, $0x100  }
0x163: {  	s31 =	sadd.s32 $0x50, s16;
	vm9 =	vmand vm13, vm11  }
0x164: {  	[tilespmem:v11+s10+$0x0] =	vst.idx.msk vm0, v8;
	v8 =	vor.u32 s31, v0;
	v63 =	vmpcnt.ones.xlane vm9  }
0x165: {  	s18 =	sadd.s32 $0x60, s16;
	[tilespmem:v11+s11+$0x0] =	vst.idx.msk vm0, v8  }
0x166: {  	v8 =	vor.u32 s18, v0;
	[tilespmem:v13+s10+$0x0] =	vst.idx.msk vm1, v9;
	v11, _, _ =	vpop (xrf0);
	v9 =	vadd.s32 v12, v63  }
0x167: {  	s19 =	sadd.s32 $0x70, s16;
	[tilespmem:v13+s11+$0x0] =	vst.idx.msk vm1, v8;
	v8 =	vadd.s32 v11, v9  }
0x168: {  	[tilespmem:v15+s10+$0x0] =	vst.idx.msk vm2, v10;
	v10 =	vor.u32 s19, v0;
	v8 =	vadd.s32 $0xFFFFFFFF, v8  }
0x169: {  	[tilespmem:v15+s11+$0x0] =	vst.idx.msk vm2, v10;
	vm15 =	vlt.s32 v8, $0x100  }
0x16a: {  	v10 =	vor.u32 s15, v0;
	[tilespmem:v17+s10+$0x0] =	vst.idx.msk vm3, v14;
	vm0 =	vmand vm14, vm15  }
0x16b: {  	[tilespmem:v17+s11+$0x0] =	vst.idx.msk vm3, v10;
	v10 =	vmpcnt.ones.xlane vm0;
	_ =	sdelay $0x1  }
0x16c: {  	v9 =	vadd.s32 v9, v10  }
0x16d: {  	v9 =	vxor.u32 $0x80000000, v9  }
0x16e: {  	s22 =	sadd.s32 $0x30, s15;
	[tilespmem:v23+s10+$0x0] =	vst.idx.msk vm6, v20;
	(xrf0) =	vmax.scan.msk.u32 $0xffff, v9  }
0x16f: {  	s23 =	sadd.s32 $0x40, s15;
	[tilespmem:v25+s10+$0x0] =	vst.idx.msk vm7, v22;
	v9 =	vor.u32 s22, v0  }
0x170: {  	s24 =	sadd.s32 $0x50, s15;
	[tilespmem:v23+s11+$0x0] =	vst.idx.msk vm6, v9;
	v9 =	vor.u32 s23, v0  }
0x171: {  	[tilespmem:v25+s11+$0x0] =	vst.idx.msk vm7, v9;
	v9 =	vor.u32 s24, v0;
	_ =	sdelay $0x1  }
0x172: {  	[tilespmem:v27+s10+$0x0] =	vst.idx.msk vm8, v24  }
0x173: {  	[tilespmem:v27+s11+$0x0] =	vst.idx.msk vm8, v9;
	v9, _, _ =	vpop (xrf0)  }
0x174: {  	s20 =	sadd.s32 $0x10, s15;
	[tilespmem:v19+s10+$0x0] =	vst.idx.msk vm4, v16;
	(v2sf) =	vpush v9, $0xF  }
0x175: {  	[tilespmem:v21+s10+$0x0] =	vst.idx.msk vm5, v57;
	v11 =	vor.u32 s20, v0  }
0x176: {  	s21 =	sadd.s32 $0x20, s15;
	[tilespmem:v19+s11+$0x0] =	vst.idx.msk vm4, v11  }
0x177: {  	s25 =	sadd.s32 $0x60, s15;
	[tilespmem:v7+s10+$0x0] =	vst.idx.msk vm9, v26;
	v10 =	vor.u32 s21, v0  }
0x178: {  	[tilespmem:v21+s11+$0x0] =	vst.idx.msk vm5, v10;
	v10 =	vor.u32 s25, v0  }
0x179: {  	s26 =	sadd.s32 $0x70, s15;
	[tilespmem:v7+s11+$0x0] =	vst.idx.msk vm9, v10  }
0x17a: {  	v7 =	vor.u32 s26, v0;
	[tilespmem:v8+s10+$0x0] =	vst.idx.msk vm0, v28  }
0x17b: {  	[tilespmem:v8+s11+$0x0] =	vst.idx.msk vm0, v7  }
0x17c: {  	v7 =	vld [tilespmem:$0x4800]  }
0x17d: {  	v8 =	vld [tilespmem:$0x4900];
	_ =	sdelay $0x4  }
0x17e: {  	(xrf1) =	vsort.ascd.msk.f32 $0xffff, v7, v8  }
0x17f: {  	s28 =	spop (v2sf)  }
0x180: {  	s15 =	sadd.s32 $0x8000000F, s28  }
0x181: {  	s29 =	sand.u32 $0xF, s15  }
0x182: {  	s30 =	sshra.s32 s15, $0x1F;
	p0 =	slt.s32 s15, $0x1;
	p1 =	sne.s32 s29, $0x0  }
0x183: {  	s31 =	sshrl.u32 s30, $0x1C;
	p0 =	por !p0, !p1  }
0x184: {  	s16 =	simm.s32 $0x1;
	s15 =	sadd.s32 s31, s15;
	p0 =	por !p0, !p0  }
0x185: {  	s15 =	sshra.s32 s15, $0x4;
	s16 =	simm.s32 @!p0 $0x0  }
0x186: {  	s15 =	ssub.s32 s15, s16  }
0x187: {  	p0 =	slt.s32 s15, $0x2  }
.Ltmp6:
0x188: {  	_ = 	snop;
	(pc) =	sbr.rel @p0 .LBB2_14-.Ltmp6, $2  }
0x189: {  	_ =	sdelay $0x2  }
0x18a: {  	v7, v8, _ =	vpop (xrf1)  }
0x18b: {  	s15 =	smin.u32 s15, $0x10  }
0x18c: {  	s15 =	sadd.s32 $0xFFFFFFFF, s15  }
0x18d: {  	p2 =	sne.s32 s15, $0x1  }
.Ltmp7:
0x18e: {  	_ = 	snop;
	(pc) =	sbr.rel @!p2 .LBB2_8-.Ltmp7, $4  }
0x18f: {  	_ = 	snop  }
0x190: {  	s16 =	simm.s32 $0x4810  }
0x191: {  	s17 =	simm.s32 $0x4910;
	v10 =	vld [tilespmem:s16+$0x0]  }
0x192: {  	p0 =	por $0x0, $0x0;
	p1 =	por $0x0, $0x0;
	v11 =	vld [tilespmem:s17+$0x0];
	s15 =	sadd.s32 $0xFFFFFFFF, s15  }
0x193: {  	_ =	sdelay $0x3  }
0x194: {  	(xrf1) =	vsort.ascd.msk.f32 $0xffff, v10, v11;
	_ =	sdelay $0x7  }
0x195: {  	p2 =	sne.s32 s15, $0x1  }
.Ltmp8:
0x196: {  	_ = 	snop;
	(pc) =	sbr.rel @!p2 .LBB2_10-.Ltmp8, $4  }
0x197: {  	_ = 	snop  }
0x198: {  	s16 =	simm.s32 $0x4820  }
0x199: {  	s31 =	simm.s32 $0x4920;
	v9 =	vmul.u32 $0xFFFFFFFF, v0;
	v10 =	vld [tilespmem:s16+$0x0]  }
0x19a: {  	s17 =	sadd.s32 $0xFFFFFFFF, s15;
	p0 =	por $0x1, $0x1;
	v11 =	vld [tilespmem:s31+$0x0]  }
0x19b: {  	v12 =	vadd.s32 $0xF, v9;
	v13, v14, _ =	vpop (xrf1)  }
0x19c: {  	v13 =	vperm.xlane v13, v12  }
0x19d: {  	v12 =	vperm.xlane v14, v12  }
0x19e: {  	vm0 =	vle.f32 v7, v13  }
0x19f: {  	(xrf1) =	vsort.ascd.msk.f32 $0xffff, v10, v11;
	v11 =	vsel vm0, v7, v13;
	v12 =	vsel vm0, v8, v12  }
0x1a0: {  	(xrf1) =	vsort.ascd.msk.f32 $0xffff, v11, v12;
	_ =	sdelay $0x6  }
0x1a1: {  	p2 =	sne.s32 s17, $0x1  }
.Ltmp9:
0x1a2: {  	_ = 	snop;
	(pc) =	sbr.rel @!p2 .LBB2_13-.Ltmp9, $4  }
0x1a3: {  	_ = 	snop  }
0x1a4: {  	s15 =	simm.s32 $0x4830  }
0x1a5: {  	s16 =	simm.s32 $0x4930;
	v10 =	vld [tilespmem:s15+$0x0]  }
0x1a6: {  	s17 =	sadd.s32 $0xFFFFFFFF, s17;
	p1 =	por $0x1, $0x1;
	v11 =	vld [tilespmem:s16+$0x0]  }
.LBB2_12:
0x1a7: {  	p2 =	sne.s32 s17, $0x1  }
0x1a8: {  	v12 =	vadd.s32 $0xF, v9;
	v13, v14, _ =	vpop (xrf1)  }
0x1a9: {  	v13 =	vperm.xlane v13, v12  }
0x1aa: {  	v12 =	vperm.xlane v14, v12;
	v15, v14, _ =	vpop (xrf1)  }
0x1ab: {  	(xrf1) =	vsort.ascd.msk.f32 $0xffff, v10, v11;
	vm0 =	vle.f32 v15, v13  }
0x1ac: {  	v10 =	vsel vm0, v15, v13;
	v11 =	vsel vm0, v14, v12  }
0x1ad: {  	(xrf1) =	vsort.ascd.msk.f32 $0xffff, v10, v11;
	_ =	sdelay $0x5  }
.Ltmp10:
0x1ae: {  	(pc) =	sbr.rel @p2 .LBB2_12-.Ltmp10, $4  }
0x1af: {  	_ = 	snop  }
0x1b0: {  	s15 =	sadd.s32 $0x10, s15  }
0x1b1: {  	s16 =	sadd.s32 $0x10, s16;
	v10 =	vld [tilespmem:s15+$0x0]  }
0x1b2: {  	s17 =	sadd.s32 $0xFFFFFFFF, s17;
	v11 =	vld [tilespmem:s16+$0x0]  }
.Ltmp11:
0x1b3: {  	_ = 	snop;
	(pc) =	sbr.rel .LBB2_13-.Ltmp11, $1  }
0x1b4: {  	_ =	sdelay $0x3  }
.LBB2_10:
.Ltmp12:
0x1b5: {  	(pc) =	sbr.rel .LBB2_13-.Ltmp12, $2  }
0x1b6: {  	_ =	sdelay $0x2  }
0x1b7: {  	_ = 	snop  }
.LBB2_16:
0x1b8: {  	_ =	sfence.sel $0x180000  }
0x1b9: {  	[bflag:$0x0] =	sbarrier.arrive $0xFFFF  }
0x1ba: {  	p0 =	sne.s32 s1, $0x0;
	_ =	strace $0x90000047  }
0x1bb: {  	s0 =	sadd.s32 @!p0 $0x100000, s0;
	[bflag:$0x2] =	sbarrier.arrive $0xFFFF  }
0x1bc: {  	[sflag:s0] =	ssyncadd.tile.s32 @!p0 $0x1;
	_ =	shalt  }
.Lfunc_end2:
_tile_overlayer_lowered:
.L_overlay_start_2:
0x1bd: {  	(tag) =	ssettag $0x2  }
0x1be: {  	s0 =	rddreg [dreg:$0x0];
	s2 =	stileid.u32  }
0x1bf: {  	s1 =	rddreg [dreg:$0x1];
	p0 =	sne.s32 s2, $0x0  }
0x1c0: {  	s3 =	rddreg [dreg:$0x2];
	[bflag:$0x3] =	sbarrier.arrive $0xFFFF;
	s2 =	simm.s32 @!p0 $0x1C01  }
0x1c1: {  	[timem:s3], [sflag:s2] =	dma.local @!p0 [hbm:s0], s1  }
0x1c2: {  	s0 =	simm.s32 @!p0 $0x1  }
0x1c3: {  	_ =	swait.ge @!p0 [sflag:s0], s1  }
0x1c4: {  	s1 =	ssub.s32 @!p0 $0x0, s1;
	[sflag:s0] =	ssyncset.done @!p0 $0x0  }
0x1c5: {  	[sflag:s0] =	ssyncadd.s32 @!p0 s1  }
0x1c6: {  	[bflag:$0x3] =	sbarrier.arrive $0xFFFF  }
0x1c7: {  	_ =	shalt  }

</sc_bundles>
